<compile_context>
chip_gen: v7x
topology: tpu7x:2x2x1
jax: 0.10.2.dev20260603
libtpu: 0.0.44.dev20260713+nightly
codegen_flags: <defaults>
</compile_context>

<pallas_src>
import functools

import jax
import jax.numpy as jnp
from jax import lax
from jax.experimental import pallas as pl
from jax.experimental.pallas import tpu as pltpu
from jax.experimental.pallas import tpu_sc as plsc

N = 10000
E = 320000
F = 128
OUT = 64
NP = 10240
NW = 32
EW = E // NW
CE = 80
NCHUNK = EW // CE
assert NCHUNK == 125
RPT = NP // 16

_mesh = plsc.VectorSubcoreMesh(core_axis_name="c", subcore_axis_name="s")


@functools.partial(
    pl.kernel,
    out_type=jax.ShapeDtypeStruct((NW * NP,), jnp.float32),
    mesh=_mesh,
    scratch_types=[
        pltpu.VMEM((EW,), jnp.int32),
        pltpu.VMEM((NP,), jnp.float32),
    ],
    compiler_params=pltpu.CompilerParams(needs_layout_passes=False),
)
def _deg_kernel(dst_hbm, out_hbm, idx_v, hist_v):
    c = lax.axis_index("c")
    s = lax.axis_index("s")
    w = s * 2 + c
    pltpu.sync_copy(dst_hbm.at[pl.ds(w * EW, EW)], idx_v)

    zeros16 = jnp.zeros((16,), jnp.float32)

    def zero_body(j, carry):
        hist_v[pl.ds(j * 16, 16)] = zeros16
        return carry

    lax.fori_loop(0, NP // 16, zero_body, 0)

    ones16 = jnp.ones((16,), jnp.float32)

    def add_body(j, carry):
        idx = idx_v[pl.ds(j * 16, 16)]
        plsc.addupdate_scatter(hist_v, [idx], ones16)
        return carry

    lax.fori_loop(0, EW // 16, add_body, 0)
    pltpu.sync_copy(hist_v, out_hbm.at[pl.ds(w * NP, NP)])


@functools.partial(
    pl.kernel,
    out_type=jax.ShapeDtypeStruct((2, NP, F), jnp.float32),
    mesh=_mesh,
    scratch_types=[
        pltpu.VMEM((EW,), jnp.int32),
        pltpu.VMEM((EW,), jnp.int32),
        pltpu.VMEM((2, CE, F), jnp.float32),
        pltpu.VMEM_SHARED((NP, F), jnp.float32),
        [pltpu.SemaphoreType.DMA] * 2,
        [pltpu.SemaphoreType.DMA] * 2,
    ],
)
def _agg_kernel(u_hbm, src_hbm, dst_hbm, zeros_hbm, out_hbm,
                sidx_v, didx_v, rows_v, acc, sgs, sas):
    c = lax.axis_index("c")
    s = lax.axis_index("s")
    w = s * 2 + c
    r0 = s * RPT
    pltpu.sync_copy(zeros_hbm.at[pl.ds(r0, RPT)], acc.at[pl.ds(r0, RPT)])
    pltpu.sync_copy(src_hbm.at[pl.ds(w * EW, EW)], sidx_v)
    pltpu.sync_copy(dst_hbm.at[pl.ds(w * EW, EW)], didx_v)
    plsc.subcore_barrier()

    bufs = [rows_v.at[0], rows_v.at[1]]

    def gather(k, b):
        pltpu.async_copy(u_hbm.at[sidx_v.at[pl.ds(k * CE, CE)]], bufs[b], sgs[b])

    def addi(k, b):
        pltpu.async_copy(bufs[b], acc.at[didx_v.at[pl.ds(k * CE, CE)]],
                         sas[b], add=True)

    def wait_g(b):
        pltpu.make_async_copy(u_hbm.at[pl.ds(0, CE)], bufs[b], sgs[b]).wait()

    def wait_a(b):
        pltpu.make_async_copy(u_hbm.at[pl.ds(0, CE)], bufs[b], sas[b]).wait()

    gather(0, 0)
    gather(1, 1)

    def body(kk, carry):
        k0 = 2 * kk
        wait_g(0); addi(k0, 0);     wait_a(0); gather(k0 + 2, 0)
        wait_g(1); addi(k0 + 1, 1); wait_a(1); gather(k0 + 3, 1)
        return carry

    lax.fori_loop(0, 61, body, 0)
    wait_g(0); addi(122, 0); wait_a(0); gather(124, 0)
    wait_g(1); addi(123, 1); wait_a(1)
    wait_g(0); addi(124, 0); wait_a(0)

    plsc.subcore_barrier()
    pltpu.sync_copy(acc.at[pl.ds(r0, RPT)], out_hbm.at[c, pl.ds(r0, RPT)])


def _prep_body(hist_ref, x_ref, dinv_ref, u0_ref):
    deg = jnp.sum(hist_ref[...], axis=0) + 1.0
    dinv = lax.rsqrt(deg)
    dinv_ref[...] = dinv
    u0_ref[...] = x_ref[...] * dinv[:, None]


_prep = pl.pallas_call(
    _prep_body,
    out_shape=(
        jax.ShapeDtypeStruct((NP,), jnp.float32),
        jax.ShapeDtypeStruct((NP, F), jnp.float32),
    ),
)


BM = 1024


def _layer1_body(parts_ref, u0_ref, dinv_ref, w1_ref, b1_ref, u1_ref):
    su = parts_ref[0] + parts_ref[1] + u0_ref[...]
    dinv = dinv_ref[...]
    ax = su * dinv[:, None]
    h = jnp.dot(ax, w1_ref[...], preferred_element_type=jnp.float32)
    h = jnp.maximum(h + b1_ref[...][None, :], 0.0)
    u1_ref[...] = h * dinv[:, None]


_layer1 = pl.pallas_call(
    _layer1_body,
    grid=(NP // BM,),
    in_specs=[
        pl.BlockSpec((2, BM, F), lambda i: (0, i, 0)),
        pl.BlockSpec((BM, F), lambda i: (i, 0)),
        pl.BlockSpec((BM,), lambda i: (i,)),
        pl.BlockSpec((F, F), lambda i: (0, 0)),
        pl.BlockSpec((F,), lambda i: (0,)),
    ],
    out_specs=pl.BlockSpec((BM, F), lambda i: (i, 0)),
    out_shape=jax.ShapeDtypeStruct((NP, F), jnp.float32),
)


def _layer23_body(parts_ref, u1_ref, dinv_ref, w2_ref, b2_ref, o2_ref):
    su = parts_ref[0] + parts_ref[1] + u1_ref[...]
    ah = su * dinv_ref[...][:, None]
    o = jnp.dot(ah, w2_ref[...], preferred_element_type=jnp.float32)
    o2_ref[...] = o + b2_ref[...][None, :]


_layer23 = pl.pallas_call(
    _layer23_body,
    grid=(NP // BM,),
    in_specs=[
        pl.BlockSpec((2, BM, F), lambda i: (0, i, 0)),
        pl.BlockSpec((BM, F), lambda i: (i, 0)),
        pl.BlockSpec((BM,), lambda i: (i,)),
        pl.BlockSpec((F, 2 * OUT), lambda i: (0, 0)),
        pl.BlockSpec((2 * OUT,), lambda i: (0,)),
    ],
    out_specs=pl.BlockSpec((BM, 2 * OUT), lambda i: (i, 0)),
    out_shape=jax.ShapeDtypeStruct((NP, 2 * OUT), jnp.float32),
)


def kernel(x, edge_index, W1, b1, Wmu, bmu, Wls, bls):
    src = edge_index[0]
    dst = edge_index[1]
    xp = jnp.zeros((NP, F), jnp.float32).at[:N].set(x)
    zeros = jnp.zeros((NP, F), jnp.float32)

    hist = _deg_kernel(dst).reshape(NW, NP)
    dinv, u0 = _prep(hist, xp)

    parts1 = _agg_kernel(u0, src, dst, zeros)
    u1 = _layer1(parts1, u0, dinv, W1, b1)

    parts2 = _agg_kernel(u1, src, dst, zeros)
    W2 = jnp.concatenate([Wmu, Wls], axis=1)
    b2 = jnp.concatenate([bmu, bls])
    o2 = _layer23(parts2, u1, dinv, W2, b2)

    return (o2[:N, :OUT], o2[:N, OUT:])

# --- scband reference (transcript-rebuilt; emitter-appended) ---
"""Pipeline reference for scband-cmapencoder2-49435073577271 (READ-ONLY COPY).

The authoritative reference and input builder live on the scoring server;
editing this copy changes nothing except your own understanding.
"""

import jax, jax.numpy as jnp
import numpy as np

N = 10000
E = 320000
IN = 128
MID = 128
OUT = 64


def setup_inputs(seed: int = 0) -> dict:
    key = jax.random.key(seed)
    ks = jax.random.split(key, 8)
    x = jax.random.normal(ks[0], (N, IN), dtype=jnp.float32)
    edge_index = jax.random.randint(ks[1], (2, E), 0, N)
    W1 = jax.random.normal(ks[2], (IN, MID), dtype=jnp.float32) * (1.0 / np.sqrt(IN))
    b1 = jnp.zeros((MID,), dtype=jnp.float32)
    Wmu = jax.random.normal(ks[3], (MID, OUT), dtype=jnp.float32) * (1.0 / np.sqrt(MID))
    bmu = jnp.zeros((OUT,), dtype=jnp.float32)
    Wls = jax.random.normal(ks[4], (MID, OUT), dtype=jnp.float32) * (1.0 / np.sqrt(MID))
    bls = jnp.zeros((OUT,), dtype=jnp.float32)
    return {"x": x, "edge_index": edge_index, "W1": W1, "b1": b1,
            "Wmu": Wmu, "bmu": bmu, "Wls": Wls, "bls": bls}


def _gcn_conv(h, edge_index, W, b):
    # GCNConv: add self-loops, symmetric normalization, linear transform, scatter-add aggregate
    n = h.shape[0]
    loop = jnp.arange(n, dtype=edge_index.dtype)
    src = jnp.concatenate([edge_index[0], loop])
    dst = jnp.concatenate([edge_index[1], loop])
    deg = jnp.zeros((n,), dtype=h.dtype).at[dst].add(1.0)
    deg_inv_sqrt = jnp.where(deg > 0, jax.lax.rsqrt(deg), 0.0)
    norm = deg_inv_sqrt[src] * deg_inv_sqrt[dst]
    ht = h @ W
    msg = ht[src] * norm[:, None]
    out = jnp.zeros((n, W.shape[1]), dtype=h.dtype).at[dst].add(msg)
    return out + b


def reference(x, edge_index, W1, b1, Wmu, bmu, Wls, bls):
    h = jax.nn.relu(_gcn_conv(x, edge_index, W1, b1))
    mu = _gcn_conv(h, edge_index, Wmu, bmu)
    logstd = _gcn_conv(h, edge_index, Wls, bls)
    return (mu, logstd)

if __name__ == "__main__":
    import jax
    _d = setup_inputs()
    print(jax.jit(kernel)(*tuple(_d.values())))

</pallas_src>

<mosaic_0001>
#map = affine_map<(d0, d1) -> (0)>
module attributes {stable_mosaic.version = 14 : i64} {
  func.func @_deg_kernel(%arg0: i32, %arg1: i32, %arg2: memref<320000xi32, #tpu.memory_space<hbm>>, %arg3: memref<327680xf32, #tpu.memory_space<hbm>>, %arg4: memref<10000xi32, #tpu.memory_space<vmem>>, %arg5: memref<10240xf32, #tpu.memory_space<vmem>>) attributes {dimension_semantics = [#tpu.dimension_semantics<core_parallel>, #tpu.dimension_semantics<subcore_parallel>], iteration_bounds = array<i64: 2, 16>, scalar_prefetch = 0 : i64, scratch_operands = 2 : i64, tpu.core_type = #tpu.core_type<sc_vector_subcore>, window_params = [{transform_indices = #map}, {transform_indices = #map}]} {
    %mul3A = arith.constant 2 : i32
    %mul3A_0 = arith.muli %arg1, %mul3A : i32
    %add3A = arith.addi %mul3A_0, %arg0 : i32
    %mul3A_1 = arith.constant 10000 : i32
    %mul3A_2 = arith.muli %add3A, %mul3A_1 : i32
    "tpu.region"() ({
      %run_scoped3A = tpu.sem_alloc : memref<!tpu.dma_semaphore, #tpu.memory_space<semaphore_mem>>
      %dma_start3A = tpu.memref_slice %arg2[%mul3A_2] : memref<320000xi32, #tpu.memory_space<hbm>> -> memref<10000xi32, #tpu.memory_space<hbm>>
      %dma_start3A_19 = tpu.memref_slice %arg2[%mul3A_2] : memref<320000xi32, #tpu.memory_space<hbm>> -> memref<10000xi32, #tpu.memory_space<hbm>>
      tpu.enqueue_dma source(%dma_start3A_19 : memref<10000xi32, #tpu.memory_space<hbm>>) target(%arg4 : memref<10000xi32, #tpu.memory_space<vmem>>) target_semaphore(%run_scoped3A : memref<!tpu.dma_semaphore, #tpu.memory_space<semaphore_mem>>)
      %dma_wait3A = tpu.memref_slice %arg2[%mul3A_2] : memref<320000xi32, #tpu.memory_space<hbm>> -> memref<10000xi32, #tpu.memory_space<hbm>>
      %dma_wait3A_20 = tpu.memref_slice %arg2[%mul3A_2] : memref<320000xi32, #tpu.memory_space<hbm>> -> memref<10000xi32, #tpu.memory_space<hbm>>
      tpu.wait_dma2 semaphore(%run_scoped3A : memref<!tpu.dma_semaphore, #tpu.memory_space<semaphore_mem>>) src(%dma_wait3A_20 : memref<10000xi32, #tpu.memory_space<hbm>>) dst(%arg4 : memref<10000xi32, #tpu.memory_space<vmem>>)
      tpu.yield
    }) : () -> ()
    %broadcast_in_dim3A = arith.constant 0.000000e+00 : f32
    %broadcast_in_dim3A_3 = vector.broadcast %broadcast_in_dim3A : f32 to vector<16xf32>
    %scan3A = arith.constant 0 : i32
    %scan3A_4 = arith.constant 0 : i32
    %scan3A_5 = arith.constant 640 : i32
    %scan3A_6 = arith.addi %scan3A_4, %scan3A_5 : i32
    %scan3A_7 = arith.constant 1 : i32
    scf.for %scan3A_19 = %scan3A_4 to %scan3A_6 step %scan3A_7  : i32 {
      %mul3A_20 = arith.constant 16 : i32
      %mul3A_21 = arith.muli %scan3A_19, %mul3A_20 : i32
      %swap3A = arith.index_cast %mul3A_21 : i32 to index
      %swap3A_22 = tpu.vector_load %arg5[%swap3A] {strides = array<i32>} : memref<10240xf32, #tpu.memory_space<vmem>>, vector<16xf32>,
      tpu.vector_store %arg5[%swap3A], %broadcast_in_dim3A_3 {strides = array<i32>} : memref<10240xf32, #tpu.memory_space<vmem>>, vector<16xf32>,
    }
    %scan3A_8 = arith.constant 640 : i32
    %broadcast_in_dim3A_9 = arith.constant 1.000000e+00 : f32
    %broadcast_in_dim3A_10 = vector.broadcast %broadcast_in_dim3A_9 : f32 to vector<16xf32>
    %scan3A_11 = arith.constant 0 : i32
    %scan3A_12 = arith.constant 0 : i32
    %scan3A_13 = arith.constant 625 : i32
    %scan3A_14 = arith.addi %scan3A_12, %scan3A_13 : i32
    %scan3A_15 = arith.constant 1 : i32
    scf.for %scan3A_19 = %scan3A_12 to %scan3A_14 step %scan3A_15  : i32 {
      %mul3A_20 = arith.constant 16 : i32
      %mul3A_21 = arith.muli %scan3A_19, %mul3A_20 : i32
      %get3A = arith.index_cast %mul3A_21 : i32 to index
      %get3A_22 = tpu.vector_load %arg4[%get3A] {strides = array<i32>} : memref<10000xi32, #tpu.memory_space<vmem>>, vector<16xi32>,
      tpu.vector_store_idx %arg5[%get3A_22], %broadcast_in_dim3A_10 {add = true} : memref<10240xf32, #tpu.memory_space<vmem>>[vector<16xi32>], vector<16xf32>,
    }
    %scan3A_16 = arith.constant 625 : i32
    %mul3A_17 = arith.constant 10240 : i32
    %mul3A_18 = arith.muli %add3A, %mul3A_17 : i32
    "tpu.region"() ({
      %run_scoped3A = tpu.sem_alloc : memref<!tpu.dma_semaphore, #tpu.memory_space<semaphore_mem>>
      %dma_start3A = tpu.memref_slice %arg3[%mul3A_18] : memref<327680xf32, #tpu.memory_space<hbm>> -> memref<10240xf32, #tpu.memory_space<hbm>>
      %dma_start3A_19 = tpu.memref_slice %arg3[%mul3A_18] : memref<327680xf32, #tpu.memory_space<hbm>> -> memref<10240xf32, #tpu.memory_space<hbm>>
      tpu.enqueue_dma source(%arg5 : memref<10240xf32, #tpu.memory_space<vmem>>) target(%dma_start3A_19 : memref<10240xf32, #tpu.memory_space<hbm>>) target_semaphore(%run_scoped3A : memref<!tpu.dma_semaphore, #tpu.memory_space<semaphore_mem>>)
      %dma_wait3A = tpu.memref_slice %arg3[%mul3A_18] : memref<327680xf32, #tpu.memory_space<hbm>> -> memref<10240xf32, #tpu.memory_space<hbm>>
      %dma_wait3A_20 = tpu.memref_slice %arg3[%mul3A_18] : memref<327680xf32, #tpu.memory_space<hbm>> -> memref<10240xf32, #tpu.memory_space<hbm>>
      tpu.wait_dma2 semaphore(%run_scoped3A : memref<!tpu.dma_semaphore, #tpu.memory_space<semaphore_mem>>) src(%arg5 : memref<10240xf32, #tpu.memory_space<vmem>>) dst(%dma_wait3A_20 : memref<10240xf32, #tpu.memory_space<hbm>>)
      tpu.yield
    }) : () -> ()
    return
  }
}

#map = affine_map<(d0, d1) -> (0, 0)>
#map1 = affine_map<(d0, d1) -> (0)>
#map2 = affine_map<(d0, d1) -> (0, 0, 0)>
module attributes {stable_mosaic.version = 14 : i64} {
  func.func @_agg_kernel(%arg0: i32, %arg1: i32, %arg2: memref<10240x128xf32, #tpu.memory_space<hbm>>, %arg3: memref<320000xi32, #tpu.memory_space<hbm>>, %arg4: memref<320000xi32, #tpu.memory_space<hbm>>, %arg5: memref<10240x128xf32, #tpu.memory_space<hbm>>, %arg6: memref<2x10240x128xf32, #tpu.memory_space<hbm>>, %arg7: memref<10000xi32, #tpu.memory_space<vmem>>, %arg8: memref<10000xi32, #tpu.memory_space<vmem>>, %arg9: memref<2x80x128xf32, #tpu.memory_space<vmem>>, %arg10: memref<10240x128xf32, #tpu.memory_space<vmem_shared>>, %arg11: memref<!tpu.dma_semaphore, #tpu.memory_space<semaphore_mem>>, %arg12: memref<!tpu.dma_semaphore, #tpu.memory_space<semaphore_mem>>, %arg13: memref<!tpu.dma_semaphore, #tpu.memory_space<semaphore_mem>>, %arg14: memref<!tpu.dma_semaphore, #tpu.memory_space<semaphore_mem>>) attributes {dimension_semantics = [#tpu.dimension_semantics<core_parallel>, #tpu.dimension_semantics<subcore_parallel>], iteration_bounds = array<i64: 2, 16>, scalar_prefetch = 0 : i64, scratch_operands = 8 : i64, tpu.core_type = #tpu.core_type<sc_vector_subcore>, window_params = [{transform_indices = #map}, {transform_indices = #map1}, {transform_indices = #map1}, {transform_indices = #map}, {transform_indices = #map2}]} {
    %mul3A = arith.constant 2 : i32
    %mul3A_0 = arith.muli %arg1, %mul3A : i32
    %add3A = arith.addi %mul3A_0, %arg0 : i32
    %mul3A_1 = arith.constant 640 : i32
    %mul3A_2 = arith.muli %arg1, %mul3A_1 : i32
    "tpu.region"() ({
      %run_scoped3A = tpu.sem_alloc : memref<!tpu.dma_semaphore, #tpu.memory_space<semaphore_mem>>
      %dma_start3A_163 = arith.constant 0 : i32
      %dma_start3A_164 = tpu.memref_slice %arg10[%mul3A_2, %dma_start3A_163] : memref<10240x128xf32, #tpu.memory_space<vmem_shared>> -> memref<640x128xf32, #tpu.memory_space<vmem_shared>>
      %dma_start3A_165 = arith.constant 0 : i32
      %dma_start3A_166 = tpu.memref_slice %arg5[%mul3A_2, %dma_start3A_165] : memref<10240x128xf32, #tpu.memory_space<hbm>> -> memref<640x128xf32, #tpu.memory_space<hbm>>
      tpu.enqueue_dma source(%dma_start3A_166 : memref<640x128xf32, #tpu.memory_space<hbm>>) target(%dma_start3A_164 : memref<640x128xf32, #tpu.memory_space<vmem_shared>>) target_semaphore(%run_scoped3A : memref<!tpu.dma_semaphore, #tpu.memory_space<semaphore_mem>>)
      %dma_wait3A_167 = arith.constant 0 : i32
      %dma_wait3A_168 = tpu.memref_slice %arg10[%mul3A_2, %dma_wait3A_167] : memref<10240x128xf32, #tpu.memory_space<vmem_shared>> -> memref<640x128xf32, #tpu.memory_space<vmem_shared>>
      %dma_wait3A_169 = arith.constant 0 : i32
      %dma_wait3A_170 = tpu.memref_slice %arg5[%mul3A_2, %dma_wait3A_169] : memref<10240x128xf32, #tpu.memory_space<hbm>> -> memref<640x128xf32, #tpu.memory_space<hbm>>
      tpu.wait_dma2 semaphore(%run_scoped3A : memref<!tpu.dma_semaphore, #tpu.memory_space<semaphore_mem>>) src(%dma_wait3A_170 : memref<640x128xf32, #tpu.memory_space<hbm>>) dst(%dma_wait3A_168 : memref<640x128xf32, #tpu.memory_space<vmem_shared>>)
      tpu.yield
    }) : () -> ()
    %mul3A_3 = arith.constant 10000 : i32
    %mul3A_4 = arith.muli %add3A, %mul3A_3 : i32
    "tpu.region"() ({
      %run_scoped3A = tpu.sem_alloc : memref<!tpu.dma_semaphore, #tpu.memory_space<semaphore_mem>>
      %dma_start3A_163 = tpu.memref_slice %arg3[%mul3A_4] : memref<320000xi32, #tpu.memory_space<hbm>> -> memref<10000xi32, #tpu.memory_space<hbm>>
      %dma_start3A_164 = tpu.memref_slice %arg3[%mul3A_4] : memref<320000xi32, #tpu.memory_space<hbm>> -> memref<10000xi32, #tpu.memory_space<hbm>>
      tpu.enqueue_dma source(%dma_start3A_164 : memref<10000xi32, #tpu.memory_space<hbm>>) target(%arg7 : memref<10000xi32, #tpu.memory_space<vmem>>) target_semaphore(%run_scoped3A : memref<!tpu.dma_semaphore, #tpu.memory_space<semaphore_mem>>)
      %dma_wait3A_165 = tpu.memref_slice %arg3[%mul3A_4] : memref<320000xi32, #tpu.memory_space<hbm>> -> memref<10000xi32, #tpu.memory_space<hbm>>
      %dma_wait3A_166 = tpu.memref_slice %arg3[%mul3A_4] : memref<320000xi32, #tpu.memory_space<hbm>> -> memref<10000xi32, #tpu.memory_space<hbm>>
      tpu.wait_dma2 semaphore(%run_scoped3A : memref<!tpu.dma_semaphore, #tpu.memory_space<semaphore_mem>>) src(%dma_wait3A_166 : memref<10000xi32, #tpu.memory_space<hbm>>) dst(%arg7 : memref<10000xi32, #tpu.memory_space<vmem>>)
      tpu.yield
    }) : () -> ()
    %mul3A_5 = arith.constant 10000 : i32
    %mul3A_6 = arith.muli %add3A, %mul3A_5 : i32
    "tpu.region"() ({
      %run_scoped3A = tpu.sem_alloc : memref<!tpu.dma_semaphore, #tpu.memory_space<semaphore_mem>>
      %dma_start3A_163 = tpu.memref_slice %arg4[%mul3A_6] : memref<320000xi32, #tpu.memory_space<hbm>> -> memref<10000xi32, #tpu.memory_space<hbm>>
      %dma_start3A_164 = tpu.memref_slice %arg4[%mul3A_6] : memref<320000xi32, #tpu.memory_space<hbm>> -> memref<10000xi32, #tpu.memory_space<hbm>>
      tpu.enqueue_dma source(%dma_start3A_164 : memref<10000xi32, #tpu.memory_space<hbm>>) target(%arg8 : memref<10000xi32, #tpu.memory_space<vmem>>) target_semaphore(%run_scoped3A : memref<!tpu.dma_semaphore, #tpu.memory_space<semaphore_mem>>)
      %dma_wait3A_165 = tpu.memref_slice %arg4[%mul3A_6] : memref<320000xi32, #tpu.memory_space<hbm>> -> memref<10000xi32, #tpu.memory_space<hbm>>
      %dma_wait3A_166 = tpu.memref_slice %arg4[%mul3A_6] : memref<320000xi32, #tpu.memory_space<hbm>> -> memref<10000xi32, #tpu.memory_space<hbm>>
      tpu.wait_dma2 semaphore(%run_scoped3A : memref<!tpu.dma_semaphore, #tpu.memory_space<semaphore_mem>>) src(%dma_wait3A_166 : memref<10000xi32, #tpu.memory_space<hbm>>) dst(%arg8 : memref<10000xi32, #tpu.memory_space<vmem>>)
      tpu.yield
    }) : () -> ()
    %barrier3A = arith.constant 0 : index
    tpu.barrier barrier_id(%barrier3A)
    %dma_start3A = arith.constant 0 : i32
    %dma_start3A_7 = arith.constant 0 : i32
    %dma_start3A_8 = arith.constant 0 : i32
    %dma_start3A_9 = tpu.memref_slice %arg9[%dma_start3A, %dma_start3A_7, %dma_start3A_8] : memref<2x80x128xf32, #tpu.memory_space<vmem>> -> memref<1x80x128xf32, #tpu.memory_space<vmem>>
    %dma_start3A_10 = tpu.memref_squeeze %dma_start3A_9 : memref<1x80x128xf32, #tpu.memory_space<vmem>> -> memref<80x128xf32, #tpu.memory_space<vmem>>
    %dma_start3A_11 = arith.constant 0 : i32
    %dma_start3A_12 = tpu.memref_slice %arg7[%dma_start3A_11] : memref<10000xi32, #tpu.memory_space<vmem>> -> memref<80xi32, #tpu.memory_space<vmem>>
    %dma_start3A_13 = arith.constant 0 : i32
    %dma_start3A_14 = arith.constant 0 : i32
    %dma_start3A_15 = tpu.memref_slice %arg2[%dma_start3A_13, %dma_start3A_14] : memref<10240x128xf32, #tpu.memory_space<hbm>> -> memref<10240x128xf32, #tpu.memory_space<hbm>>
    tpu.enqueue_indirect_dma source(%dma_start3A_15 : memref<10240x128xf32, #tpu.memory_space<hbm>>) target(%dma_start3A_10 : memref<80x128xf32, #tpu.memory_space<vmem>>) offsets(%dma_start3A_12 : memref<80xi32, #tpu.memory_space<vmem>>) semaphore(%arg11 : memref<!tpu.dma_semaphore, #tpu.memory_space<semaphore_mem>>)
    %dma_start3A_16 = arith.constant 1 : i32
    %dma_start3A_17 = arith.constant 0 : i32
    %dma_start3A_18 = arith.constant 0 : i32
    %dma_start3A_19 = tpu.memref_slice %arg9[%dma_start3A_16, %dma_start3A_17, %dma_start3A_18] : memref<2x80x128xf32, #tpu.memory_space<vmem>> -> memref<1x80x128xf32, #tpu.memory_space<vmem>>
    %dma_start3A_20 = tpu.memref_squeeze %dma_start3A_19 : memref<1x80x128xf32, #tpu.memory_space<vmem>> -> memref<80x128xf32, #tpu.memory_space<vmem>>
    %dma_start3A_21 = arith.constant 80 : i32
    %dma_start3A_22 = tpu.memref_slice %arg7[%dma_start3A_21] : memref<10000xi32, #tpu.memory_space<vmem>> -> memref<80xi32, #tpu.memory_space<vmem>>
    %dma_start3A_23 = arith.constant 0 : i32
    %dma_start3A_24 = arith.constant 0 : i32
    %dma_start3A_25 = tpu.memref_slice %arg2[%dma_start3A_23, %dma_start3A_24] : memref<10240x128xf32, #tpu.memory_space<hbm>> -> memref<10240x128xf32, #tpu.memory_space<hbm>>
    tpu.enqueue_indirect_dma source(%dma_start3A_25 : memref<10240x128xf32, #tpu.memory_space<hbm>>) target(%dma_start3A_20 : memref<80x128xf32, #tpu.memory_space<vmem>>) offsets(%dma_start3A_22 : memref<80xi32, #tpu.memory_space<vmem>>) semaphore(%arg12 : memref<!tpu.dma_semaphore, #tpu.memory_space<semaphore_mem>>)
    %scan3A = arith.constant 0 : i32
    %scan3A_26 = arith.constant 0 : i32
    %scan3A_27 = arith.constant 1 : i32
    %scan3A_28 = arith.constant 0 : i32
    %scan3A_29 = arith.constant 61 : i32
    %scan3A_30 = arith.addi %scan3A_28, %scan3A_29 : i32
    %scan3A_31 = arith.constant 1 : i32
    scf.for %scan3A_163 = %scan3A_28 to %scan3A_30 step %scan3A_31  : i32 {
      %mul3A_164 = arith.constant 2 : i32
      %mul3A_165 = arith.muli %mul3A_164, %scan3A_163 : i32
      %dma_wait3A_166 = arith.constant 0 : i32
      %dma_wait3A_167 = arith.constant 0 : i32
      %dma_wait3A_168 = tpu.memref_slice %arg9[%scan3A_26, %dma_wait3A_166, %dma_wait3A_167] : memref<2x80x128xf32, #tpu.memory_space<vmem>> -> memref<1x80x128xf32, #tpu.memory_space<vmem>>
      %dma_wait3A_169 = tpu.memref_squeeze %dma_wait3A_168 : memref<1x80x128xf32, #tpu.memory_space<vmem>> -> memref<80x128xf32, #tpu.memory_space<vmem>>
      %dma_wait3A_170 = arith.constant 0 : i32
      %dma_wait3A_171 = arith.constant 0 : i32
      %dma_wait3A_172 = tpu.memref_slice %arg2[%dma_wait3A_170, %dma_wait3A_171] : memref<10240x128xf32, #tpu.memory_space<hbm>> -> memref<80x128xf32, #tpu.memory_space<hbm>>
      %dma_wait3A_173 = arith.constant 0 : i32
      %dma_wait3A_174 = arith.constant 0 : i32
      %dma_wait3A_175 = tpu.memref_slice %arg9[%scan3A_26, %dma_wait3A_173, %dma_wait3A_174] : memref<2x80x128xf32, #tpu.memory_space<vmem>> -> memref<1x80x128xf32, #tpu.memory_space<vmem>>
      %dma_wait3A_176 = tpu.memref_squeeze %dma_wait3A_175 : memref<1x80x128xf32, #tpu.memory_space<vmem>> -> memref<80x128xf32, #tpu.memory_space<vmem>>
      %dma_wait3A_177 = arith.constant 0 : i32
      %dma_wait3A_178 = arith.constant 0 : i32
      %dma_wait3A_179 = tpu.memref_slice %arg2[%dma_wait3A_177, %dma_wait3A_178] : memref<10240x128xf32, #tpu.memory_space<hbm>> -> memref<80x128xf32, #tpu.memory_space<hbm>>
      tpu.wait_dma2 semaphore(%arg11 : memref<!tpu.dma_semaphore, #tpu.memory_space<semaphore_mem>>) src(%dma_wait3A_179 : memref<80x128xf32, #tpu.memory_space<hbm>>) dst(%dma_wait3A_176 : memref<80x128xf32, #tpu.memory_space<vmem>>)
      %mul3A_180 = arith.constant 80 : i32
      %mul3A_181 = arith.muli %mul3A_165, %mul3A_180 : i32
      %dma_start3A_182 = arith.constant 0 : i32
      %dma_start3A_183 = arith.constant 0 : i32
      %dma_start3A_184 = tpu.memref_slice %arg9[%scan3A_26, %dma_start3A_182, %dma_start3A_183] : memref<2x80x128xf32, #tpu.memory_space<vmem>> -> memref<1x80x128xf32, #tpu.memory_space<vmem>>
      %dma_start3A_185 = tpu.memref_squeeze %dma_start3A_184 : memref<1x80x128xf32, #tpu.memory_space<vmem>> -> memref<80x128xf32, #tpu.memory_space<vmem>>
      %dma_start3A_186 = tpu.memref_slice %arg8[%mul3A_181] : memref<10000xi32, #tpu.memory_space<vmem>> -> memref<80xi32, #tpu.memory_space<vmem>>
      %dma_start3A_187 = arith.constant 0 : i32
      %dma_start3A_188 = arith.constant 0 : i32
      %dma_start3A_189 = tpu.memref_slice %arg10[%dma_start3A_187, %dma_start3A_188] : memref<10240x128xf32, #tpu.memory_space<vmem_shared>> -> memref<10240x128xf32, #tpu.memory_space<vmem_shared>>
      tpu.enqueue_indirect_dma source(%dma_start3A_185 : memref<80x128xf32, #tpu.memory_space<vmem>>) target(%dma_start3A_189 : memref<10240x128xf32, #tpu.memory_space<vmem_shared>>) offsets(%dma_start3A_186 : memref<80xi32, #tpu.memory_space<vmem>>) semaphore(%arg13 : memref<!tpu.dma_semaphore, #tpu.memory_space<semaphore_mem>>) {add = true}
      %dma_wait3A_190 = arith.constant 0 : i32
      %dma_wait3A_191 = arith.constant 0 : i32
      %dma_wait3A_192 = tpu.memref_slice %arg9[%scan3A_26, %dma_wait3A_190, %dma_wait3A_191] : memref<2x80x128xf32, #tpu.memory_space<vmem>> -> memref<1x80x128xf32, #tpu.memory_space<vmem>>
      %dma_wait3A_193 = tpu.memref_squeeze %dma_wait3A_192 : memref<1x80x128xf32, #tpu.memory_space<vmem>> -> memref<80x128xf32, #tpu.memory_space<vmem>>
      %dma_wait3A_194 = arith.constant 0 : i32
      %dma_wait3A_195 = arith.constant 0 : i32
      %dma_wait3A_196 = tpu.memref_slice %arg2[%dma_wait3A_194, %dma_wait3A_195] : memref<10240x128xf32, #tpu.memory_space<hbm>> -> memref<80x128xf32, #tpu.memory_space<hbm>>
      %dma_wait3A_197 = arith.constant 0 : i32
      %dma_wait3A_198 = arith.constant 0 : i32
      %dma_wait3A_199 = tpu.memref_slice %arg9[%scan3A_26, %dma_wait3A_197, %dma_wait3A_198] : memref<2x80x128xf32, #tpu.memory_space<vmem>> -> memref<1x80x128xf32, #tpu.memory_space<vmem>>
      %dma_wait3A_200 = tpu.memref_squeeze %dma_wait3A_199 : memref<1x80x128xf32, #tpu.memory_space<vmem>> -> memref<80x128xf32, #tpu.memory_space<vmem>>
      %dma_wait3A_201 = arith.constant 0 : i32
      %dma_wait3A_202 = arith.constant 0 : i32
      %dma_wait3A_203 = tpu.memref_slice %arg2[%dma_wait3A_201, %dma_wait3A_202] : memref<10240x128xf32, #tpu.memory_space<hbm>> -> memref<80x128xf32, #tpu.memory_space<hbm>>
      tpu.wait_dma2 semaphore(%arg13 : memref<!tpu.dma_semaphore, #tpu.memory_space<semaphore_mem>>) src(%dma_wait3A_203 : memref<80x128xf32, #tpu.memory_space<hbm>>) dst(%dma_wait3A_200 : memref<80x128xf32, #tpu.memory_space<vmem>>)
      %add3A_204 = arith.constant 2 : i32
      %add3A_205 = arith.addi %mul3A_165, %add3A_204 : i32
      %mul3A_206 = arith.constant 80 : i32
      %mul3A_207 = arith.muli %add3A_205, %mul3A_206 : i32
      %dma_start3A_208 = arith.constant 0 : i32
      %dma_start3A_209 = arith.constant 0 : i32
      %dma_start3A_210 = tpu.memref_slice %arg9[%scan3A_26, %dma_start3A_208, %dma_start3A_209] : memref<2x80x128xf32, #tpu.memory_space<vmem>> -> memref<1x80x128xf32, #tpu.memory_space<vmem>>
      %dma_start3A_211 = tpu.memref_squeeze %dma_start3A_210 : memref<1x80x128xf32, #tpu.memory_space<vmem>> -> memref<80x128xf32, #tpu.memory_space<vmem>>
      %dma_start3A_212 = tpu.memref_slice %arg7[%mul3A_207] : memref<10000xi32, #tpu.memory_space<vmem>> -> memref<80xi32, #tpu.memory_space<vmem>>
      %dma_start3A_213 = arith.constant 0 : i32
      %dma_start3A_214 = arith.constant 0 : i32
      %dma_start3A_215 = tpu.memref_slice %arg2[%dma_start3A_213, %dma_start3A_214] : memref<10240x128xf32, #tpu.memory_space<hbm>> -> memref<10240x128xf32, #tpu.memory_space<hbm>>
      tpu.enqueue_indirect_dma source(%dma_start3A_215 : memref<10240x128xf32, #tpu.memory_space<hbm>>) target(%dma_start3A_211 : memref<80x128xf32, #tpu.memory_space<vmem>>) offsets(%dma_start3A_212 : memref<80xi32, #tpu.memory_space<vmem>>) semaphore(%arg11 : memref<!tpu.dma_semaphore, #tpu.memory_space<semaphore_mem>>)
      %dma_wait3A_216 = arith.constant 0 : i32
      %dma_wait3A_217 = arith.constant 0 : i32
      %dma_wait3A_218 = tpu.memref_slice %arg9[%scan3A_27, %dma_wait3A_216, %dma_wait3A_217] : memref<2x80x128xf32, #tpu.memory_space<vmem>> -> memref<1x80x128xf32, #tpu.memory_space<vmem>>
      %dma_wait3A_219 = tpu.memref_squeeze %dma_wait3A_218 : memref<1x80x128xf32, #tpu.memory_space<vmem>> -> memref<80x128xf32, #tpu.memory_space<vmem>>
      %dma_wait3A_220 = arith.constant 0 : i32
      %dma_wait3A_221 = arith.constant 0 : i32
      %dma_wait3A_222 = tpu.memref_slice %arg2[%dma_wait3A_220, %dma_wait3A_221] : memref<10240x128xf32, #tpu.memory_space<hbm>> -> memref<80x128xf32, #tpu.memory_space<hbm>>
      %dma_wait3A_223 = arith.constant 0 : i32
      %dma_wait3A_224 = arith.constant 0 : i32
      %dma_wait3A_225 = tpu.memref_slice %arg9[%scan3A_27, %dma_wait3A_223, %dma_wait3A_224] : memref<2x80x128xf32, #tpu.memory_space<vmem>> -> memref<1x80x128xf32, #tpu.memory_space<vmem>>
      %dma_wait3A_226 = tpu.memref_squeeze %dma_wait3A_225 : memref<1x80x128xf32, #tpu.memory_space<vmem>> -> memref<80x128xf32, #tpu.memory_space<vmem>>
      %dma_wait3A_227 = arith.constant 0 : i32
      %dma_wait3A_228 = arith.constant 0 : i32
      %dma_wait3A_229 = tpu.memref_slice %arg2[%dma_wait3A_227, %dma_wait3A_228] : memref<10240x128xf32, #tpu.memory_space<hbm>> -> memref<80x128xf32, #tpu.memory_space<hbm>>
      tpu.wait_dma2 semaphore(%arg12 : memref<!tpu.dma_semaphore, #tpu.memory_space<semaphore_mem>>) src(%dma_wait3A_229 : memref<80x128xf32, #tpu.memory_space<hbm>>) dst(%dma_wait3A_226 : memref<80x128xf32, #tpu.memory_space<vmem>>)
      %add3A_230 = arith.constant 1 : i32
      %add3A_231 = arith.addi %mul3A_165, %add3A_230 : i32
      %mul3A_232 = arith.constant 80 : i32
      %mul3A_233 = arith.muli %add3A_231, %mul3A_232 : i32
      %dma_start3A_234 = arith.constant 0 : i32
      %dma_start3A_235 = arith.constant 0 : i32
      %dma_start3A_236 = tpu.memref_slice %arg9[%scan3A_27, %dma_start3A_234, %dma_start3A_235] : memref<2x80x128xf32, #tpu.memory_space<vmem>> -> memref<1x80x128xf32, #tpu.memory_space<vmem>>
      %dma_start3A_237 = tpu.memref_squeeze %dma_start3A_236 : memref<1x80x128xf32, #tpu.memory_space<vmem>> -> memref<80x128xf32, #tpu.memory_space<vmem>>
      %dma_start3A_238 = tpu.memref_slice %arg8[%mul3A_233] : memref<10000xi32, #tpu.memory_space<vmem>> -> memref<80xi32, #tpu.memory_space<vmem>>
      %dma_start3A_239 = arith.constant 0 : i32
      %dma_start3A_240 = arith.constant 0 : i32
      %dma_start3A_241 = tpu.memref_slice %arg10[%dma_start3A_239, %dma_start3A_240] : memref<10240x128xf32, #tpu.memory_space<vmem_shared>> -> memref<10240x128xf32, #tpu.memory_space<vmem_shared>>
      tpu.enqueue_indirect_dma source(%dma_start3A_237 : memref<80x128xf32, #tpu.memory_space<vmem>>) target(%dma_start3A_241 : memref<10240x128xf32, #tpu.memory_space<vmem_shared>>) offsets(%dma_start3A_238 : memref<80xi32, #tpu.memory_space<vmem>>) semaphore(%arg14 : memref<!tpu.dma_semaphore, #tpu.memory_space<semaphore_mem>>) {add = true}
      %dma_wait3A_242 = arith.constant 0 : i32
      %dma_wait3A_243 = arith.constant 0 : i32
      %dma_wait3A_244 = tpu.memref_slice %arg9[%scan3A_27, %dma_wait3A_242, %dma_wait3A_243] : memref<2x80x128xf32, #tpu.memory_space<vmem>> -> memref<1x80x128xf32, #tpu.memory_space<vmem>>
      %dma_wait3A_245 = tpu.memref_squeeze %dma_wait3A_244 : memref<1x80x128xf32, #tpu.memory_space<vmem>> -> memref<80x128xf32, #tpu.memory_space<vmem>>
      %dma_wait3A_246 = arith.constant 0 : i32
      %dma_wait3A_247 = arith.constant 0 : i32
      %dma_wait3A_248 = tpu.memref_slice %arg2[%dma_wait3A_246, %dma_wait3A_247] : memref<10240x128xf32, #tpu.memory_space<hbm>> -> memref<80x128xf32, #tpu.memory_space<hbm>>
      %dma_wait3A_249 = arith.constant 0 : i32
      %dma_wait3A_250 = arith.constant 0 : i32
      %dma_wait3A_251 = tpu.memref_slice %arg9[%scan3A_27, %dma_wait3A_249, %dma_wait3A_250] : memref<2x80x128xf32, #tpu.memory_space<vmem>> -> memref<1x80x128xf32, #tpu.memory_space<vmem>>
      %dma_wait3A_252 = tpu.memref_squeeze %dma_wait3A_251 : memref<1x80x128xf32, #tpu.memory_space<vmem>> -> memref<80x128xf32, #tpu.memory_space<vmem>>
      %dma_wait3A_253 = arith.constant 0 : i32
      %dma_wait3A_254 = arith.constant 0 : i32
      %dma_wait3A_255 = tpu.memref_slice %arg2[%dma_wait3A_253, %dma_wait3A_254] : memref<10240x128xf32, #tpu.memory_space<hbm>> -> memref<80x128xf32, #tpu.memory_space<hbm>>
      tpu.wait_dma2 semaphore(%arg14 : memref<!tpu.dma_semaphore, #tpu.memory_space<semaphore_mem>>) src(%dma_wait3A_255 : memref<80x128xf32, #tpu.memory_space<hbm>>) dst(%dma_wait3A_252 : memref<80x128xf32, #tpu.memory_space<vmem>>)
      %add3A_256 = arith.constant 3 : i32
      %add3A_257 = arith.addi %mul3A_165, %add3A_256 : i32
      %mul3A_258 = arith.constant 80 : i32
      %mul3A_259 = arith.muli %add3A_257, %mul3A_258 : i32
      %dma_start3A_260 = arith.constant 0 : i32
      %dma_start3A_261 = arith.constant 0 : i32
      %dma_start3A_262 = tpu.memref_slice %arg9[%scan3A_27, %dma_start3A_260, %dma_start3A_261] : memref<2x80x128xf32, #tpu.memory_space<vmem>> -> memref<1x80x128xf32, #tpu.memory_space<vmem>>
      %dma_start3A_263 = tpu.memref_squeeze %dma_start3A_262 : memref<1x80x128xf32, #tpu.memory_space<vmem>> -> memref<80x128xf32, #tpu.memory_space<vmem>>
      %dma_start3A_264 = tpu.memref_slice %arg7[%mul3A_259] : memref<10000xi32, #tpu.memory_space<vmem>> -> memref<80xi32, #tpu.memory_space<vmem>>
      %dma_start3A_265 = arith.constant 0 : i32
      %dma_start3A_266 = arith.constant 0 : i32
      %dma_start3A_267 = tpu.memref_slice %arg2[%dma_start3A_265, %dma_start3A_266] : memref<10240x128xf32, #tpu.memory_space<hbm>> -> memref<10240x128xf32, #tpu.memory_space<hbm>>
      tpu.enqueue_indirect_dma source(%dma_start3A_267 : memref<10240x128xf32, #tpu.memory_space<hbm>>) target(%dma_start3A_263 : memref<80x128xf32, #tpu.memory_space<vmem>>) offsets(%dma_start3A_264 : memref<80xi32, #tpu.memory_space<vmem>>) semaphore(%arg12 : memref<!tpu.dma_semaphore, #tpu.memory_space<semaphore_mem>>)
    }
    %scan3A_32 = arith.constant 61 : i32
    %dma_wait3A = arith.constant 0 : i32
    %dma_wait3A_33 = arith.constant 0 : i32
    %dma_wait3A_34 = arith.constant 0 : i32
    %dma_wait3A_35 = tpu.memref_slice %arg9[%dma_wait3A, %dma_wait3A_33, %dma_wait3A_34] : memref<2x80x128xf32, #tpu.memory_space<vmem>> -> memref<1x80x128xf32, #tpu.memory_space<vmem>>
    %dma_wait3A_36 = tpu.memref_squeeze %dma_wait3A_35 : memref<1x80x128xf32, #tpu.memory_space<vmem>> -> memref<80x128xf32, #tpu.memory_space<vmem>>
    %dma_wait3A_37 = arith.constant 0 : i32
    %dma_wait3A_38 = arith.constant 0 : i32
    %dma_wait3A_39 = tpu.memref_slice %arg2[%dma_wait3A_37, %dma_wait3A_38] : memref<10240x128xf32, #tpu.memory_space<hbm>> -> memref<80x128xf32, #tpu.memory_space<hbm>>
    %dma_wait3A_40 = arith.constant 0 : i32
    %dma_wait3A_41 = arith.constant 0 : i32
    %dma_wait3A_42 = tpu.memref_slice %arg9[%dma_wait3A, %dma_wait3A_40, %dma_wait3A_41] : memref<2x80x128xf32, #tpu.memory_space<vmem>> -> memref<1x80x128xf32, #tpu.memory_space<vmem>>
    %dma_wait3A_43 = tpu.memref_squeeze %dma_wait3A_42 : memref<1x80x128xf32, #tpu.memory_space<vmem>> -> memref<80x128xf32, #tpu.memory_space<vmem>>
    %dma_wait3A_44 = arith.constant 0 : i32
    %dma_wait3A_45 = arith.constant 0 : i32
    %dma_wait3A_46 = tpu.memref_slice %arg2[%dma_wait3A_44, %dma_wait3A_45] : memref<10240x128xf32, #tpu.memory_space<hbm>> -> memref<80x128xf32, #tpu.memory_space<hbm>>
    tpu.wait_dma2 semaphore(%arg11 : memref<!tpu.dma_semaphore, #tpu.memory_space<semaphore_mem>>) src(%dma_wait3A_46 : memref<80x128xf32, #tpu.memory_space<hbm>>) dst(%dma_wait3A_43 : memref<80x128xf32, #tpu.memory_space<vmem>>)
    %dma_start3A_47 = arith.constant 0 : i32
    %dma_start3A_48 = arith.constant 0 : i32
    %dma_start3A_49 = arith.constant 0 : i32
    %dma_start3A_50 = tpu.memref_slice %arg9[%dma_start3A_47, %dma_start3A_48, %dma_start3A_49] : memref<2x80x128xf32, #tpu.memory_space<vmem>> -> memref<1x80x128xf32, #tpu.memory_space<vmem>>
    %dma_start3A_51 = tpu.memref_squeeze %dma_start3A_50 : memref<1x80x128xf32, #tpu.memory_space<vmem>> -> memref<80x128xf32, #tpu.memory_space<vmem>>
    %dma_start3A_52 = arith.constant 9760 : i32
    %dma_start3A_53 = tpu.memref_slice %arg8[%dma_start3A_52] : memref<10000xi32, #tpu.memory_space<vmem>> -> memref<80xi32, #tpu.memory_space<vmem>>
    %dma_start3A_54 = arith.constant 0 : i32
    %dma_start3A_55 = arith.constant 0 : i32
    %dma_start3A_56 = tpu.memref_slice %arg10[%dma_start3A_54, %dma_start3A_55] : memref<10240x128xf32, #tpu.memory_space<vmem_shared>> -> memref<10240x128xf32, #tpu.memory_space<vmem_shared>>
    tpu.enqueue_indirect_dma source(%dma_start3A_51 : memref<80x128xf32, #tpu.memory_space<vmem>>) target(%dma_start3A_56 : memref<10240x128xf32, #tpu.memory_space<vmem_shared>>) offsets(%dma_start3A_53 : memref<80xi32, #tpu.memory_space<vmem>>) semaphore(%arg13 : memref<!tpu.dma_semaphore, #tpu.memory_space<semaphore_mem>>) {add = true}
    %dma_wait3A_57 = arith.constant 0 : i32
    %dma_wait3A_58 = arith.constant 0 : i32
    %dma_wait3A_59 = arith.constant 0 : i32
    %dma_wait3A_60 = tpu.memref_slice %arg9[%dma_wait3A_57, %dma_wait3A_58, %dma_wait3A_59] : memref<2x80x128xf32, #tpu.memory_space<vmem>> -> memref<1x80x128xf32, #tpu.memory_space<vmem>>
    %dma_wait3A_61 = tpu.memref_squeeze %dma_wait3A_60 : memref<1x80x128xf32, #tpu.memory_space<vmem>> -> memref<80x128xf32, #tpu.memory_space<vmem>>
    %dma_wait3A_62 = arith.constant 0 : i32
    %dma_wait3A_63 = arith.constant 0 : i32
    %dma_wait3A_64 = tpu.memref_slice %arg2[%dma_wait3A_62, %dma_wait3A_63] : memref<10240x128xf32, #tpu.memory_space<hbm>> -> memref<80x128xf32, #tpu.memory_space<hbm>>
    %dma_wait3A_65 = arith.constant 0 : i32
    %dma_wait3A_66 = arith.constant 0 : i32
    %dma_wait3A_67 = tpu.memref_slice %arg9[%dma_wait3A_57, %dma_wait3A_65, %dma_wait3A_66] : memref<2x80x128xf32, #tpu.memory_space<vmem>> -> memref<1x80x128xf32, #tpu.memory_space<vmem>>
    %dma_wait3A_68 = tpu.memref_squeeze %dma_wait3A_67 : memref<1x80x128xf32, #tpu.memory_space<vmem>> -> memref<80x128xf32, #tpu.memory_space<vmem>>
    %dma_wait3A_69 = arith.constant 0 : i32
    %dma_wait3A_70 = arith.constant 0 : i32
    %dma_wait3A_71 = tpu.memref_slice %arg2[%dma_wait3A_69, %dma_wait3A_70] : memref<10240x128xf32, #tpu.memory_space<hbm>> -> memref<80x128xf32, #tpu.memory_space<hbm>>
    tpu.wait_dma2 semaphore(%arg13 : memref<!tpu.dma_semaphore, #tpu.memory_space<semaphore_mem>>) src(%dma_wait3A_71 : memref<80x128xf32, #tpu.memory_space<hbm>>) dst(%dma_wait3A_68 : memref<80x128xf32, #tpu.memory_space<vmem>>)
    %dma_start3A_72 = arith.constant 0 : i32
    %dma_start3A_73 = arith.constant 0 : i32
    %dma_start3A_74 = arith.constant 0 : i32
    %dma_start3A_75 = tpu.memref_slice %arg9[%dma_start3A_72, %dma_start3A_73, %dma_start3A_74] : memref<2x80x128xf32, #tpu.memory_space<vmem>> -> memref<1x80x128xf32, #tpu.memory_space<vmem>>
    %dma_start3A_76 = tpu.memref_squeeze %dma_start3A_75 : memref<1x80x128xf32, #tpu.memory_space<vmem>> -> memref<80x128xf32, #tpu.memory_space<vmem>>
    %dma_start3A_77 = arith.constant 9920 : i32
    %dma_start3A_78 = tpu.memref_slice %arg7[%dma_start3A_77] : memref<10000xi32, #tpu.memory_space<vmem>> -> memref<80xi32, #tpu.memory_space<vmem>>
    %dma_start3A_79 = arith.constant 0 : i32
    %dma_start3A_80 = arith.constant 0 : i32
    %dma_start3A_81 = tpu.memref_slice %arg2[%dma_start3A_79, %dma_start3A_80] : memref<10240x128xf32, #tpu.memory_space<hbm>> -> memref<10240x128xf32, #tpu.memory_space<hbm>>
    tpu.enqueue_indirect_dma source(%dma_start3A_81 : memref<10240x128xf32, #tpu.memory_space<hbm>>) target(%dma_start3A_76 : memref<80x128xf32, #tpu.memory_space<vmem>>) offsets(%dma_start3A_78 : memref<80xi32, #tpu.memory_space<vmem>>) semaphore(%arg11 : memref<!tpu.dma_semaphore, #tpu.memory_space<semaphore_mem>>)
    %dma_wait3A_82 = arith.constant 1 : i32
    %dma_wait3A_83 = arith.constant 0 : i32
    %dma_wait3A_84 = arith.constant 0 : i32
    %dma_wait3A_85 = tpu.memref_slice %arg9[%dma_wait3A_82, %dma_wait3A_83, %dma_wait3A_84] : memref<2x80x128xf32, #tpu.memory_space<vmem>> -> memref<1x80x128xf32, #tpu.memory_space<vmem>>
    %dma_wait3A_86 = tpu.memref_squeeze %dma_wait3A_85 : memref<1x80x128xf32, #tpu.memory_space<vmem>> -> memref<80x128xf32, #tpu.memory_space<vmem>>
    %dma_wait3A_87 = arith.constant 0 : i32
    %dma_wait3A_88 = arith.constant 0 : i32
    %dma_wait3A_89 = tpu.memref_slice %arg2[%dma_wait3A_87, %dma_wait3A_88] : memref<10240x128xf32, #tpu.memory_space<hbm>> -> memref<80x128xf32, #tpu.memory_space<hbm>>
    %dma_wait3A_90 = arith.constant 0 : i32
    %dma_wait3A_91 = arith.constant 0 : i32
    %dma_wait3A_92 = tpu.memref_slice %arg9[%dma_wait3A_82, %dma_wait3A_90, %dma_wait3A_91] : memref<2x80x128xf32, #tpu.memory_space<vmem>> -> memref<1x80x128xf32, #tpu.memory_space<vmem>>
    %dma_wait3A_93 = tpu.memref_squeeze %dma_wait3A_92 : memref<1x80x128xf32, #tpu.memory_space<vmem>> -> memref<80x128xf32, #tpu.memory_space<vmem>>
    %dma_wait3A_94 = arith.constant 0 : i32
    %dma_wait3A_95 = arith.constant 0 : i32
    %dma_wait3A_96 = tpu.memref_slice %arg2[%dma_wait3A_94, %dma_wait3A_95] : memref<10240x128xf32, #tpu.memory_space<hbm>> -> memref<80x128xf32, #tpu.memory_space<hbm>>
    tpu.wait_dma2 semaphore(%arg12 : memref<!tpu.dma_semaphore, #tpu.memory_space<semaphore_mem>>) src(%dma_wait3A_96 : memref<80x128xf32, #tpu.memory_space<hbm>>) dst(%dma_wait3A_93 : memref<80x128xf32, #tpu.memory_space<vmem>>)
    %dma_start3A_97 = arith.constant 1 : i32
    %dma_start3A_98 = arith.constant 0 : i32
    %dma_start3A_99 = arith.constant 0 : i32
    %dma_start3A_100 = tpu.memref_slice %arg9[%dma_start3A_97, %dma_start3A_98, %dma_start3A_99] : memref<2x80x128xf32, #tpu.memory_space<vmem>> -> memref<1x80x128xf32, #tpu.memory_space<vmem>>
    %dma_start3A_101 = tpu.memref_squeeze %dma_start3A_100 : memref<1x80x128xf32, #tpu.memory_space<vmem>> -> memref<80x128xf32, #tpu.memory_space<vmem>>
    %dma_start3A_102 = arith.constant 9840 : i32
    %dma_start3A_103 = tpu.memref_slice %arg8[%dma_start3A_102] : memref<10000xi32, #tpu.memory_space<vmem>> -> memref<80xi32, #tpu.memory_space<vmem>>
    %dma_start3A_104 = arith.constant 0 : i32
    %dma_start3A_105 = arith.constant 0 : i32
    %dma_start3A_106 = tpu.memref_slice %arg10[%dma_start3A_104, %dma_start3A_105] : memref<10240x128xf32, #tpu.memory_space<vmem_shared>> -> memref<10240x128xf32, #tpu.memory_space<vmem_shared>>
    tpu.enqueue_indirect_dma source(%dma_start3A_101 : memref<80x128xf32, #tpu.memory_space<vmem>>) target(%dma_start3A_106 : memref<10240x128xf32, #tpu.memory_space<vmem_shared>>) offsets(%dma_start3A_103 : memref<80xi32, #tpu.memory_space<vmem>>) semaphore(%arg14 : memref<!tpu.dma_semaphore, #tpu.memory_space<semaphore_mem>>) {add = true}
    %dma_wait3A_107 = arith.constant 1 : i32
    %dma_wait3A_108 = arith.constant 0 : i32
    %dma_wait3A_109 = arith.constant 0 : i32
    %dma_wait3A_110 = tpu.memref_slice %arg9[%dma_wait3A_107, %dma_wait3A_108, %dma_wait3A_109] : memref<2x80x128xf32, #tpu.memory_space<vmem>> -> memref<1x80x128xf32, #tpu.memory_space<vmem>>
    %dma_wait3A_111 = tpu.memref_squeeze %dma_wait3A_110 : memref<1x80x128xf32, #tpu.memory_space<vmem>> -> memref<80x128xf32, #tpu.memory_space<vmem>>
    %dma_wait3A_112 = arith.constant 0 : i32
    %dma_wait3A_113 = arith.constant 0 : i32
    %dma_wait3A_114 = tpu.memref_slice %arg2[%dma_wait3A_112, %dma_wait3A_113] : memref<10240x128xf32, #tpu.memory_space<hbm>> -> memref<80x128xf32, #tpu.memory_space<hbm>>
    %dma_wait3A_115 = arith.constant 0 : i32
    %dma_wait3A_116 = arith.constant 0 : i32
    %dma_wait3A_117 = tpu.memref_slice %arg9[%dma_wait3A_107, %dma_wait3A_115, %dma_wait3A_116] : memref<2x80x128xf32, #tpu.memory_space<vmem>> -> memref<1x80x128xf32, #tpu.memory_space<vmem>>
    %dma_wait3A_118 = tpu.memref_squeeze %dma_wait3A_117 : memref<1x80x128xf32, #tpu.memory_space<vmem>> -> memref<80x128xf32, #tpu.memory_space<vmem>>
    %dma_wait3A_119 = arith.constant 0 : i32
    %dma_wait3A_120 = arith.constant 0 : i32
    %dma_wait3A_121 = tpu.memref_slice %arg2[%dma_wait3A_119, %dma_wait3A_120] : memref<10240x128xf32, #tpu.memory_space<hbm>> -> memref<80x128xf32, #tpu.memory_space<hbm>>
    tpu.wait_dma2 semaphore(%arg14 : memref<!tpu.dma_semaphore, #tpu.memory_space<semaphore_mem>>) src(%dma_wait3A_121 : memref<80x128xf32, #tpu.memory_space<hbm>>) dst(%dma_wait3A_118 : memref<80x128xf32, #tpu.memory_space<vmem>>)
    %dma_wait3A_122 = arith.constant 0 : i32
    %dma_wait3A_123 = arith.constant 0 : i32
    %dma_wait3A_124 = arith.constant 0 : i32
    %dma_wait3A_125 = tpu.memref_slice %arg9[%dma_wait3A_122, %dma_wait3A_123, %dma_wait3A_124] : memref<2x80x128xf32, #tpu.memory_space<vmem>> -> memref<1x80x128xf32, #tpu.memory_space<vmem>>
    %dma_wait3A_126 = tpu.memref_squeeze %dma_wait3A_125 : memref<1x80x128xf32, #tpu.memory_space<vmem>> -> memref<80x128xf32, #tpu.memory_space<vmem>>
    %dma_wait3A_127 = arith.constant 0 : i32
    %dma_wait3A_128 = arith.constant 0 : i32
    %dma_wait3A_129 = tpu.memref_slice %arg2[%dma_wait3A_127, %dma_wait3A_128] : memref<10240x128xf32, #tpu.memory_space<hbm>> -> memref<80x128xf32, #tpu.memory_space<hbm>>
    %dma_wait3A_130 = arith.constant 0 : i32
    %dma_wait3A_131 = arith.constant 0 : i32
    %dma_wait3A_132 = tpu.memref_slice %arg9[%dma_wait3A_122, %dma_wait3A_130, %dma_wait3A_131] : memref<2x80x128xf32, #tpu.memory_space<vmem>> -> memref<1x80x128xf32, #tpu.memory_space<vmem>>
    %dma_wait3A_133 = tpu.memref_squeeze %dma_wait3A_132 : memref<1x80x128xf32, #tpu.memory_space<vmem>> -> memref<80x128xf32, #tpu.memory_space<vmem>>
    %dma_wait3A_134 = arith.constant 0 : i32
    %dma_wait3A_135 = arith.constant 0 : i32
    %dma_wait3A_136 = tpu.memref_slice %arg2[%dma_wait3A_134, %dma_wait3A_135] : memref<10240x128xf32, #tpu.memory_space<hbm>> -> memref<80x128xf32, #tpu.memory_space<hbm>>
    tpu.wait_dma2 semaphore(%arg11 : memref<!tpu.dma_semaphore, #tpu.memory_space<semaphore_mem>>) src(%dma_wait3A_136 : memref<80x128xf32, #tpu.memory_space<hbm>>) dst(%dma_wait3A_133 : memref<80x128xf32, #tpu.memory_space<vmem>>)
    %dma_start3A_137 = arith.constant 0 : i32
    %dma_start3A_138 = arith.constant 0 : i32
    %dma_start3A_139 = arith.constant 0 : i32
    %dma_start3A_140 = tpu.memref_slice %arg9[%dma_start3A_137, %dma_start3A_138, %dma_start3A_139] : memref<2x80x128xf32, #tpu.memory_space<vmem>> -> memref<1x80x128xf32, #tpu.memory_space<vmem>>
    %dma_start3A_141 = tpu.memref_squeeze %dma_start3A_140 : memref<1x80x128xf32, #tpu.memory_space<vmem>> -> memref<80x128xf32, #tpu.memory_space<vmem>>
    %dma_start3A_142 = arith.constant 9920 : i32
    %dma_start3A_143 = tpu.memref_slice %arg8[%dma_start3A_142] : memref<10000xi32, #tpu.memory_space<vmem>> -> memref<80xi32, #tpu.memory_space<vmem>>
    %dma_start3A_144 = arith.constant 0 : i32
    %dma_start3A_145 = arith.constant 0 : i32
    %dma_start3A_146 = tpu.memref_slice %arg10[%dma_start3A_144, %dma_start3A_145] : memref<10240x128xf32, #tpu.memory_space<vmem_shared>> -> memref<10240x128xf32, #tpu.memory_space<vmem_shared>>
    tpu.enqueue_indirect_dma source(%dma_start3A_141 : memref<80x128xf32, #tpu.memory_space<vmem>>) target(%dma_start3A_146 : memref<10240x128xf32, #tpu.memory_space<vmem_shared>>) offsets(%dma_start3A_143 : memref<80xi32, #tpu.memory_space<vmem>>) semaphore(%arg13 : memref<!tpu.dma_semaphore, #tpu.memory_space<semaphore_mem>>) {add = true}
    %dma_wait3A_147 = arith.constant 0 : i32
    %dma_wait3A_148 = arith.constant 0 : i32
    %dma_wait3A_149 = arith.constant 0 : i32
    %dma_wait3A_150 = tpu.memref_slice %arg9[%dma_wait3A_147, %dma_wait3A_148, %dma_wait3A_149] : memref<2x80x128xf32, #tpu.memory_space<vmem>> -> memref<1x80x128xf32, #tpu.memory_space<vmem>>
    %dma_wait3A_151 = tpu.memref_squeeze %dma_wait3A_150 : memref<1x80x128xf32, #tpu.memory_space<vmem>> -> memref<80x128xf32, #tpu.memory_space<vmem>>
    %dma_wait3A_152 = arith.constant 0 : i32
    %dma_wait3A_153 = arith.constant 0 : i32
    %dma_wait3A_154 = tpu.memref_slice %arg2[%dma_wait3A_152, %dma_wait3A_153] : memref<10240x128xf32, #tpu.memory_space<hbm>> -> memref<80x128xf32, #tpu.memory_space<hbm>>
    %dma_wait3A_155 = arith.constant 0 : i32
    %dma_wait3A_156 = arith.constant 0 : i32
    %dma_wait3A_157 = tpu.memref_slice %arg9[%dma_wait3A_147, %dma_wait3A_155, %dma_wait3A_156] : memref<2x80x128xf32, #tpu.memory_space<vmem>> -> memref<1x80x128xf32, #tpu.memory_space<vmem>>
    %dma_wait3A_158 = tpu.memref_squeeze %dma_wait3A_157 : memref<1x80x128xf32, #tpu.memory_space<vmem>> -> memref<80x128xf32, #tpu.memory_space<vmem>>
    %dma_wait3A_159 = arith.constant 0 : i32
    %dma_wait3A_160 = arith.constant 0 : i32
    %dma_wait3A_161 = tpu.memref_slice %arg2[%dma_wait3A_159, %dma_wait3A_160] : memref<10240x128xf32, #tpu.memory_space<hbm>> -> memref<80x128xf32, #tpu.memory_space<hbm>>
    tpu.wait_dma2 semaphore(%arg13 : memref<!tpu.dma_semaphore, #tpu.memory_space<semaphore_mem>>) src(%dma_wait3A_161 : memref<80x128xf32, #tpu.memory_space<hbm>>) dst(%dma_wait3A_158 : memref<80x128xf32, #tpu.memory_space<vmem>>)
    %barrier3A_162 = arith.constant 0 : index
    tpu.barrier barrier_id(%barrier3A_162)
    "tpu.region"() ({
      %run_scoped3A = tpu.sem_alloc : memref<!tpu.dma_semaphore, #tpu.memory_space<semaphore_mem>>
      %dma_start3A_163 = arith.constant 0 : i32
      %dma_start3A_164 = tpu.memref_slice %arg6[%arg0, %mul3A_2, %dma_start3A_163] : memref<2x10240x128xf32, #tpu.memory_space<hbm>> -> memref<1x640x128xf32, #tpu.memory_space<hbm>>
      %dma_start3A_165 = tpu.memref_squeeze %dma_start3A_164 : memref<1x640x128xf32, #tpu.memory_space<hbm>> -> memref<640x128xf32, #tpu.memory_space<hbm>>
      %dma_start3A_166 = arith.constant 0 : i32
      %dma_start3A_167 = tpu.memref_slice %arg10[%mul3A_2, %dma_start3A_166] : memref<10240x128xf32, #tpu.memory_space<vmem_shared>> -> memref<640x128xf32, #tpu.memory_space<vmem_shared>>
      tpu.enqueue_dma source(%dma_start3A_167 : memref<640x128xf32, #tpu.memory_space<vmem_shared>>) target(%dma_start3A_165 : memref<640x128xf32, #tpu.memory_space<hbm>>) target_semaphore(%run_scoped3A : memref<!tpu.dma_semaphore, #tpu.memory_space<semaphore_mem>>)
      %dma_wait3A_168 = arith.constant 0 : i32
      %dma_wait3A_169 = tpu.memref_slice %arg6[%arg0, %mul3A_2, %dma_wait3A_168] : memref<2x10240x128xf32, #tpu.memory_space<hbm>> -> memref<1x640x128xf32, #tpu.memory_space<hbm>>
      %dma_wait3A_170 = tpu.memref_squeeze %dma_wait3A_169 : memref<1x640x128xf32, #tpu.memory_space<hbm>> -> memref<640x128xf32, #tpu.memory_space<hbm>>
      %dma_wait3A_171 = arith.constant 0 : i32
      %dma_wait3A_172 = tpu.memref_slice %arg10[%mul3A_2, %dma_wait3A_171] : memref<10240x128xf32, #tpu.memory_space<vmem_shared>> -> memref<640x128xf32, #tpu.memory_space<vmem_shared>>
      tpu.wait_dma2 semaphore(%run_scoped3A : memref<!tpu.dma_semaphore, #tpu.memory_space<semaphore_mem>>) src(%dma_wait3A_172 : memref<640x128xf32, #tpu.memory_space<vmem_shared>>) dst(%dma_wait3A_170 : memref<640x128xf32, #tpu.memory_space<hbm>>)
      tpu.yield
    }) : () -> ()
    return
  }
}

#map = affine_map<(d0, d1) -> (0, 0)>
#map1 = affine_map<(d0, d1) -> (0)>
#map2 = affine_map<(d0, d1) -> (0, 0, 0)>
module attributes {stable_mosaic.version = 14 : i64} {
  func.func @_agg_kernel(%arg0: i32, %arg1: i32, %arg2: memref<10240x128xf32, #tpu.memory_space<hbm>>, %arg3: memref<320000xi32, #tpu.memory_space<hbm>>, %arg4: memref<320000xi32, #tpu.memory_space<hbm>>, %arg5: memref<10240x128xf32, #tpu.memory_space<hbm>>, %arg6: memref<2x10240x128xf32, #tpu.memory_space<hbm>>, %arg7: memref<10000xi32, #tpu.memory_space<vmem>>, %arg8: memref<10000xi32, #tpu.memory_space<vmem>>, %arg9: memref<2x80x128xf32, #tpu.memory_space<vmem>>, %arg10: memref<10240x128xf32, #tpu.memory_space<vmem_shared>>, %arg11: memref<!tpu.dma_semaphore, #tpu.memory_space<semaphore_mem>>, %arg12: memref<!tpu.dma_semaphore, #tpu.memory_space<semaphore_mem>>, %arg13: memref<!tpu.dma_semaphore, #tpu.memory_space<semaphore_mem>>, %arg14: memref<!tpu.dma_semaphore, #tpu.memory_space<semaphore_mem>>) attributes {dimension_semantics = [#tpu.dimension_semantics<core_parallel>, #tpu.dimension_semantics<subcore_parallel>], iteration_bounds = array<i64: 2, 16>, scalar_prefetch = 0 : i64, scratch_operands = 8 : i64, tpu.core_type = #tpu.core_type<sc_vector_subcore>, window_params = [{transform_indices = #map}, {transform_indices = #map1}, {transform_indices = #map1}, {transform_indices = #map}, {transform_indices = #map2}]} {
    %mul3A = arith.constant 2 : i32
    %mul3A_0 = arith.muli %arg1, %mul3A : i32
    %add3A = arith.addi %mul3A_0, %arg0 : i32
    %mul3A_1 = arith.constant 640 : i32
    %mul3A_2 = arith.muli %arg1, %mul3A_1 : i32
    "tpu.region"() ({
      %run_scoped3A = tpu.sem_alloc : memref<!tpu.dma_semaphore, #tpu.memory_space<semaphore_mem>>
      %dma_start3A_163 = arith.constant 0 : i32
      %dma_start3A_164 = tpu.memref_slice %arg10[%mul3A_2, %dma_start3A_163] : memref<10240x128xf32, #tpu.memory_space<vmem_shared>> -> memref<640x128xf32, #tpu.memory_space<vmem_shared>>
      %dma_start3A_165 = arith.constant 0 : i32
      %dma_start3A_166 = tpu.memref_slice %arg5[%mul3A_2, %dma_start3A_165] : memref<10240x128xf32, #tpu.memory_space<hbm>> -> memref<640x128xf32, #tpu.memory_space<hbm>>
      tpu.enqueue_dma source(%dma_start3A_166 : memref<640x128xf32, #tpu.memory_space<hbm>>) target(%dma_start3A_164 : memref<640x128xf32, #tpu.memory_space<vmem_shared>>) target_semaphore(%run_scoped3A : memref<!tpu.dma_semaphore, #tpu.memory_space<semaphore_mem>>)
      %dma_wait3A_167 = arith.constant 0 : i32
      %dma_wait3A_168 = tpu.memref_slice %arg10[%mul3A_2, %dma_wait3A_167] : memref<10240x128xf32, #tpu.memory_space<vmem_shared>> -> memref<640x128xf32, #tpu.memory_space<vmem_shared>>
      %dma_wait3A_169 = arith.constant 0 : i32
      %dma_wait3A_170 = tpu.memref_slice %arg5[%mul3A_2, %dma_wait3A_169] : memref<10240x128xf32, #tpu.memory_space<hbm>> -> memref<640x128xf32, #tpu.memory_space<hbm>>
      tpu.wait_dma2 semaphore(%run_scoped3A : memref<!tpu.dma_semaphore, #tpu.memory_space<semaphore_mem>>) src(%dma_wait3A_170 : memref<640x128xf32, #tpu.memory_space<hbm>>) dst(%dma_wait3A_168 : memref<640x128xf32, #tpu.memory_space<vmem_shared>>)
      tpu.yield
    }) : () -> ()
    %mul3A_3 = arith.constant 10000 : i32
    %mul3A_4 = arith.muli %add3A, %mul3A_3 : i32
    "tpu.region"() ({
      %run_scoped3A = tpu.sem_alloc : memref<!tpu.dma_semaphore, #tpu.memory_space<semaphore_mem>>
      %dma_start3A_163 = tpu.memref_slice %arg3[%mul3A_4] : memref<320000xi32, #tpu.memory_space<hbm>> -> memref<10000xi32, #tpu.memory_space<hbm>>
      %dma_start3A_164 = tpu.memref_slice %arg3[%mul3A_4] : memref<320000xi32, #tpu.memory_space<hbm>> -> memref<10000xi32, #tpu.memory_space<hbm>>
      tpu.enqueue_dma source(%dma_start3A_164 : memref<10000xi32, #tpu.memory_space<hbm>>) target(%arg7 : memref<10000xi32, #tpu.memory_space<vmem>>) target_semaphore(%run_scoped3A : memref<!tpu.dma_semaphore, #tpu.memory_space<semaphore_mem>>)
      %dma_wait3A_165 = tpu.memref_slice %arg3[%mul3A_4] : memref<320000xi32, #tpu.memory_space<hbm>> -> memref<10000xi32, #tpu.memory_space<hbm>>
      %dma_wait3A_166 = tpu.memref_slice %arg3[%mul3A_4] : memref<320000xi32, #tpu.memory_space<hbm>> -> memref<10000xi32, #tpu.memory_space<hbm>>
      tpu.wait_dma2 semaphore(%run_scoped3A : memref<!tpu.dma_semaphore, #tpu.memory_space<semaphore_mem>>) src(%dma_wait3A_166 : memref<10000xi32, #tpu.memory_space<hbm>>) dst(%arg7 : memref<10000xi32, #tpu.memory_space<vmem>>)
      tpu.yield
    }) : () -> ()
    %mul3A_5 = arith.constant 10000 : i32
    %mul3A_6 = arith.muli %add3A, %mul3A_5 : i32
    "tpu.region"() ({
      %run_scoped3A = tpu.sem_alloc : memref<!tpu.dma_semaphore, #tpu.memory_space<semaphore_mem>>
      %dma_start3A_163 = tpu.memref_slice %arg4[%mul3A_6] : memref<320000xi32, #tpu.memory_space<hbm>> -> memref<10000xi32, #tpu.memory_space<hbm>>
      %dma_start3A_164 = tpu.memref_slice %arg4[%mul3A_6] : memref<320000xi32, #tpu.memory_space<hbm>> -> memref<10000xi32, #tpu.memory_space<hbm>>
      tpu.enqueue_dma source(%dma_start3A_164 : memref<10000xi32, #tpu.memory_space<hbm>>) target(%arg8 : memref<10000xi32, #tpu.memory_space<vmem>>) target_semaphore(%run_scoped3A : memref<!tpu.dma_semaphore, #tpu.memory_space<semaphore_mem>>)
      %dma_wait3A_165 = tpu.memref_slice %arg4[%mul3A_6] : memref<320000xi32, #tpu.memory_space<hbm>> -> memref<10000xi32, #tpu.memory_space<hbm>>
      %dma_wait3A_166 = tpu.memref_slice %arg4[%mul3A_6] : memref<320000xi32, #tpu.memory_space<hbm>> -> memref<10000xi32, #tpu.memory_space<hbm>>
      tpu.wait_dma2 semaphore(%run_scoped3A : memref<!tpu.dma_semaphore, #tpu.memory_space<semaphore_mem>>) src(%dma_wait3A_166 : memref<10000xi32, #tpu.memory_space<hbm>>) dst(%arg8 : memref<10000xi32, #tpu.memory_space<vmem>>)
      tpu.yield
    }) : () -> ()
    %barrier3A = arith.constant 0 : index
    tpu.barrier barrier_id(%barrier3A)
    %dma_start3A = arith.constant 0 : i32
    %dma_start3A_7 = arith.constant 0 : i32
    %dma_start3A_8 = arith.constant 0 : i32
    %dma_start3A_9 = tpu.memref_slice %arg9[%dma_start3A, %dma_start3A_7, %dma_start3A_8] : memref<2x80x128xf32, #tpu.memory_space<vmem>> -> memref<1x80x128xf32, #tpu.memory_space<vmem>>
    %dma_start3A_10 = tpu.memref_squeeze %dma_start3A_9 : memref<1x80x128xf32, #tpu.memory_space<vmem>> -> memref<80x128xf32, #tpu.memory_space<vmem>>
    %dma_start3A_11 = arith.constant 0 : i32
    %dma_start3A_12 = tpu.memref_slice %arg7[%dma_start3A_11] : memref<10000xi32, #tpu.memory_space<vmem>> -> memref<80xi32, #tpu.memory_space<vmem>>
    %dma_start3A_13 = arith.constant 0 : i32
    %dma_start3A_14 = arith.constant 0 : i32
    %dma_start3A_15 = tpu.memref_slice %arg2[%dma_start3A_13, %dma_start3A_14] : memref<10240x128xf32, #tpu.memory_space<hbm>> -> memref<10240x128xf32, #tpu.memory_space<hbm>>
    tpu.enqueue_indirect_dma source(%dma_start3A_15 : memref<10240x128xf32, #tpu.memory_space<hbm>>) target(%dma_start3A_10 : memref<80x128xf32, #tpu.memory_space<vmem>>) offsets(%dma_start3A_12 : memref<80xi32, #tpu.memory_space<vmem>>) semaphore(%arg11 : memref<!tpu.dma_semaphore, #tpu.memory_space<semaphore_mem>>)
    %dma_start3A_16 = arith.constant 1 : i32
    %dma_start3A_17 = arith.constant 0 : i32
    %dma_start3A_18 = arith.constant 0 : i32
    %dma_start3A_19 = tpu.memref_slice %arg9[%dma_start3A_16, %dma_start3A_17, %dma_start3A_18] : memref<2x80x128xf32, #tpu.memory_space<vmem>> -> memref<1x80x128xf32, #tpu.memory_space<vmem>>
    %dma_start3A_20 = tpu.memref_squeeze %dma_start3A_19 : memref<1x80x128xf32, #tpu.memory_space<vmem>> -> memref<80x128xf32, #tpu.memory_space<vmem>>
    %dma_start3A_21 = arith.constant 80 : i32
    %dma_start3A_22 = tpu.memref_slice %arg7[%dma_start3A_21] : memref<10000xi32, #tpu.memory_space<vmem>> -> memref<80xi32, #tpu.memory_space<vmem>>
    %dma_start3A_23 = arith.constant 0 : i32
    %dma_start3A_24 = arith.constant 0 : i32
    %dma_start3A_25 = tpu.memref_slice %arg2[%dma_start3A_23, %dma_start3A_24] : memref<10240x128xf32, #tpu.memory_space<hbm>> -> memref<10240x128xf32, #tpu.memory_space<hbm>>
    tpu.enqueue_indirect_dma source(%dma_start3A_25 : memref<10240x128xf32, #tpu.memory_space<hbm>>) target(%dma_start3A_20 : memref<80x128xf32, #tpu.memory_space<vmem>>) offsets(%dma_start3A_22 : memref<80xi32, #tpu.memory_space<vmem>>) semaphore(%arg12 : memref<!tpu.dma_semaphore, #tpu.memory_space<semaphore_mem>>)
    %scan3A = arith.constant 0 : i32
    %scan3A_26 = arith.constant 0 : i32
    %scan3A_27 = arith.constant 1 : i32
    %scan3A_28 = arith.constant 0 : i32
    %scan3A_29 = arith.constant 61 : i32
    %scan3A_30 = arith.addi %scan3A_28, %scan3A_29 : i32
    %scan3A_31 = arith.constant 1 : i32
    scf.for %scan3A_163 = %scan3A_28 to %scan3A_30 step %scan3A_31  : i32 {
      %mul3A_164 = arith.constant 2 : i32
      %mul3A_165 = arith.muli %mul3A_164, %scan3A_163 : i32
      %dma_wait3A_166 = arith.constant 0 : i32
      %dma_wait3A_167 = arith.constant 0 : i32
      %dma_wait3A_168 = tpu.memref_slice %arg9[%scan3A_26, %dma_wait3A_166, %dma_wait3A_167] : memref<2x80x128xf32, #tpu.memory_space<vmem>> -> memref<1x80x128xf32, #tpu.memory_space<vmem>>
      %dma_wait3A_169 = tpu.memref_squeeze %dma_wait3A_168 : memref<1x80x128xf32, #tpu.memory_space<vmem>> -> memref<80x128xf32, #tpu.memory_space<vmem>>
      %dma_wait3A_170 = arith.constant 0 : i32
      %dma_wait3A_171 = arith.constant 0 : i32
      %dma_wait3A_172 = tpu.memref_slice %arg2[%dma_wait3A_170, %dma_wait3A_171] : memref<10240x128xf32, #tpu.memory_space<hbm>> -> memref<80x128xf32, #tpu.memory_space<hbm>>
      %dma_wait3A_173 = arith.constant 0 : i32
      %dma_wait3A_174 = arith.constant 0 : i32
      %dma_wait3A_175 = tpu.memref_slice %arg9[%scan3A_26, %dma_wait3A_173, %dma_wait3A_174] : memref<2x80x128xf32, #tpu.memory_space<vmem>> -> memref<1x80x128xf32, #tpu.memory_space<vmem>>
      %dma_wait3A_176 = tpu.memref_squeeze %dma_wait3A_175 : memref<1x80x128xf32, #tpu.memory_space<vmem>> -> memref<80x128xf32, #tpu.memory_space<vmem>>
      %dma_wait3A_177 = arith.constant 0 : i32
      %dma_wait3A_178 = arith.constant 0 : i32
      %dma_wait3A_179 = tpu.memref_slice %arg2[%dma_wait3A_177, %dma_wait3A_178] : memref<10240x128xf32, #tpu.memory_space<hbm>> -> memref<80x128xf32, #tpu.memory_space<hbm>>
      tpu.wait_dma2 semaphore(%arg11 : memref<!tpu.dma_semaphore, #tpu.memory_space<semaphore_mem>>) src(%dma_wait3A_179 : memref<80x128xf32, #tpu.memory_space<hbm>>) dst(%dma_wait3A_176 : memref<80x128xf32, #tpu.memory_space<vmem>>)
      %mul3A_180 = arith.constant 80 : i32
      %mul3A_181 = arith.muli %mul3A_165, %mul3A_180 : i32
      %dma_start3A_182 = arith.constant 0 : i32
      %dma_start3A_183 = arith.constant 0 : i32
      %dma_start3A_184 = tpu.memref_slice %arg9[%scan3A_26, %dma_start3A_182, %dma_start3A_183] : memref<2x80x128xf32, #tpu.memory_space<vmem>> -> memref<1x80x128xf32, #tpu.memory_space<vmem>>
      %dma_start3A_185 = tpu.memref_squeeze %dma_start3A_184 : memref<1x80x128xf32, #tpu.memory_space<vmem>> -> memref<80x128xf32, #tpu.memory_space<vmem>>
      %dma_start3A_186 = tpu.memref_slice %arg8[%mul3A_181] : memref<10000xi32, #tpu.memory_space<vmem>> -> memref<80xi32, #tpu.memory_space<vmem>>
      %dma_start3A_187 = arith.constant 0 : i32
      %dma_start3A_188 = arith.constant 0 : i32
      %dma_start3A_189 = tpu.memref_slice %arg10[%dma_start3A_187, %dma_start3A_188] : memref<10240x128xf32, #tpu.memory_space<vmem_shared>> -> memref<10240x128xf32, #tpu.memory_space<vmem_shared>>
      tpu.enqueue_indirect_dma source(%dma_start3A_185 : memref<80x128xf32, #tpu.memory_space<vmem>>) target(%dma_start3A_189 : memref<10240x128xf32, #tpu.memory_space<vmem_shared>>) offsets(%dma_start3A_186 : memref<80xi32, #tpu.memory_space<vmem>>) semaphore(%arg13 : memref<!tpu.dma_semaphore, #tpu.memory_space<semaphore_mem>>) {add = true}
      %dma_wait3A_190 = arith.constant 0 : i32
      %dma_wait3A_191 = arith.constant 0 : i32
      %dma_wait3A_192 = tpu.memref_slice %arg9[%scan3A_26, %dma_wait3A_190, %dma_wait3A_191] : memref<2x80x128xf32, #tpu.memory_space<vmem>> -> memref<1x80x128xf32, #tpu.memory_space<vmem>>
      %dma_wait3A_193 = tpu.memref_squeeze %dma_wait3A_192 : memref<1x80x128xf32, #tpu.memory_space<vmem>> -> memref<80x128xf32, #tpu.memory_space<vmem>>
      %dma_wait3A_194 = arith.constant 0 : i32
      %dma_wait3A_195 = arith.constant 0 : i32
      %dma_wait3A_196 = tpu.memref_slice %arg2[%dma_wait3A_194, %dma_wait3A_195] : memref<10240x128xf32, #tpu.memory_space<hbm>> -> memref<80x128xf32, #tpu.memory_space<hbm>>
      %dma_wait3A_197 = arith.constant 0 : i32
      %dma_wait3A_198 = arith.constant 0 : i32
      %dma_wait3A_199 = tpu.memref_slice %arg9[%scan3A_26, %dma_wait3A_197, %dma_wait3A_198] : memref<2x80x128xf32, #tpu.memory_space<vmem>> -> memref<1x80x128xf32, #tpu.memory_space<vmem>>
      %dma_wait3A_200 = tpu.memref_squeeze %dma_wait3A_199 : memref<1x80x128xf32, #tpu.memory_space<vmem>> -> memref<80x128xf32, #tpu.memory_space<vmem>>
      %dma_wait3A_201 = arith.constant 0 : i32
      %dma_wait3A_202 = arith.constant 0 : i32
      %dma_wait3A_203 = tpu.memref_slice %arg2[%dma_wait3A_201, %dma_wait3A_202] : memref<10240x128xf32, #tpu.memory_space<hbm>> -> memref<80x128xf32, #tpu.memory_space<hbm>>
      tpu.wait_dma2 semaphore(%arg13 : memref<!tpu.dma_semaphore, #tpu.memory_space<semaphore_mem>>) src(%dma_wait3A_203 : memref<80x128xf32, #tpu.memory_space<hbm>>) dst(%dma_wait3A_200 : memref<80x128xf32, #tpu.memory_space<vmem>>)
      %add3A_204 = arith.constant 2 : i32
      %add3A_205 = arith.addi %mul3A_165, %add3A_204 : i32
      %mul3A_206 = arith.constant 80 : i32
      %mul3A_207 = arith.muli %add3A_205, %mul3A_206 : i32
      %dma_start3A_208 = arith.constant 0 : i32
      %dma_start3A_209 = arith.constant 0 : i32
      %dma_start3A_210 = tpu.memref_slice %arg9[%scan3A_26, %dma_start3A_208, %dma_start3A_209] : memref<2x80x128xf32, #tpu.memory_space<vmem>> -> memref<1x80x128xf32, #tpu.memory_space<vmem>>
      %dma_start3A_211 = tpu.memref_squeeze %dma_start3A_210 : memref<1x80x128xf32, #tpu.memory_space<vmem>> -> memref<80x128xf32, #tpu.memory_space<vmem>>
      %dma_start3A_212 = tpu.memref_slice %arg7[%mul3A_207] : memref<10000xi32, #tpu.memory_space<vmem>> -> memref<80xi32, #tpu.memory_space<vmem>>
      %dma_start3A_213 = arith.constant 0 : i32
      %dma_start3A_214 = arith.constant 0 : i32
      %dma_start3A_215 = tpu.memref_slice %arg2[%dma_start3A_213, %dma_start3A_214] : memref<10240x128xf32, #tpu.memory_space<hbm>> -> memref<10240x128xf32, #tpu.memory_space<hbm>>
      tpu.enqueue_indirect_dma source(%dma_start3A_215 : memref<10240x128xf32, #tpu.memory_space<hbm>>) target(%dma_start3A_211 : memref<80x128xf32, #tpu.memory_space<vmem>>) offsets(%dma_start3A_212 : memref<80xi32, #tpu.memory_space<vmem>>) semaphore(%arg11 : memref<!tpu.dma_semaphore, #tpu.memory_space<semaphore_mem>>)
      %dma_wait3A_216 = arith.constant 0 : i32
      %dma_wait3A_217 = arith.constant 0 : i32
      %dma_wait3A_218 = tpu.memref_slice %arg9[%scan3A_27, %dma_wait3A_216, %dma_wait3A_217] : memref<2x80x128xf32, #tpu.memory_space<vmem>> -> memref<1x80x128xf32, #tpu.memory_space<vmem>>
      %dma_wait3A_219 = tpu.memref_squeeze %dma_wait3A_218 : memref<1x80x128xf32, #tpu.memory_space<vmem>> -> memref<80x128xf32, #tpu.memory_space<vmem>>
      %dma_wait3A_220 = arith.constant 0 : i32
      %dma_wait3A_221 = arith.constant 0 : i32
      %dma_wait3A_222 = tpu.memref_slice %arg2[%dma_wait3A_220, %dma_wait3A_221] : memref<10240x128xf32, #tpu.memory_space<hbm>> -> memref<80x128xf32, #tpu.memory_space<hbm>>
      %dma_wait3A_223 = arith.constant 0 : i32
      %dma_wait3A_224 = arith.constant 0 : i32
      %dma_wait3A_225 = tpu.memref_slice %arg9[%scan3A_27, %dma_wait3A_223, %dma_wait3A_224] : memref<2x80x128xf32, #tpu.memory_space<vmem>> -> memref<1x80x128xf32, #tpu.memory_space<vmem>>
      %dma_wait3A_226 = tpu.memref_squeeze %dma_wait3A_225 : memref<1x80x128xf32, #tpu.memory_space<vmem>> -> memref<80x128xf32, #tpu.memory_space<vmem>>
      %dma_wait3A_227 = arith.constant 0 : i32
      %dma_wait3A_228 = arith.constant 0 : i32
      %dma_wait3A_229 = tpu.memref_slice %arg2[%dma_wait3A_227, %dma_wait3A_228] : memref<10240x128xf32, #tpu.memory_space<hbm>> -> memref<80x128xf32, #tpu.memory_space<hbm>>
      tpu.wait_dma2 semaphore(%arg12 : memref<!tpu.dma_semaphore, #tpu.memory_space<semaphore_mem>>) src(%dma_wait3A_229 : memref<80x128xf32, #tpu.memory_space<hbm>>) dst(%dma_wait3A_226 : memref<80x128xf32, #tpu.memory_space<vmem>>)
      %add3A_230 = arith.constant 1 : i32
      %add3A_231 = arith.addi %mul3A_165, %add3A_230 : i32
      %mul3A_232 = arith.constant 80 : i32
      %mul3A_233 = arith.muli %add3A_231, %mul3A_232 : i32
      %dma_start3A_234 = arith.constant 0 : i32
      %dma_start3A_235 = arith.constant 0 : i32
      %dma_start3A_236 = tpu.memref_slice %arg9[%scan3A_27, %dma_start3A_234, %dma_start3A_235] : memref<2x80x128xf32, #tpu.memory_space<vmem>> -> memref<1x80x128xf32, #tpu.memory_space<vmem>>
      %dma_start3A_237 = tpu.memref_squeeze %dma_start3A_236 : memref<1x80x128xf32, #tpu.memory_space<vmem>> -> memref<80x128xf32, #tpu.memory_space<vmem>>
      %dma_start3A_238 = tpu.memref_slice %arg8[%mul3A_233] : memref<10000xi32, #tpu.memory_space<vmem>> -> memref<80xi32, #tpu.memory_space<vmem>>
      %dma_start3A_239 = arith.constant 0 : i32
      %dma_start3A_240 = arith.constant 0 : i32
      %dma_start3A_241 = tpu.memref_slice %arg10[%dma_start3A_239, %dma_start3A_240] : memref<10240x128xf32, #tpu.memory_space<vmem_shared>> -> memref<10240x128xf32, #tpu.memory_space<vmem_shared>>
      tpu.enqueue_indirect_dma source(%dma_start3A_237 : memref<80x128xf32, #tpu.memory_space<vmem>>) target(%dma_start3A_241 : memref<10240x128xf32, #tpu.memory_space<vmem_shared>>) offsets(%dma_start3A_238 : memref<80xi32, #tpu.memory_space<vmem>>) semaphore(%arg14 : memref<!tpu.dma_semaphore, #tpu.memory_space<semaphore_mem>>) {add = true}
      %dma_wait3A_242 = arith.constant 0 : i32
      %dma_wait3A_243 = arith.constant 0 : i32
      %dma_wait3A_244 = tpu.memref_slice %arg9[%scan3A_27, %dma_wait3A_242, %dma_wait3A_243] : memref<2x80x128xf32, #tpu.memory_space<vmem>> -> memref<1x80x128xf32, #tpu.memory_space<vmem>>
      %dma_wait3A_245 = tpu.memref_squeeze %dma_wait3A_244 : memref<1x80x128xf32, #tpu.memory_space<vmem>> -> memref<80x128xf32, #tpu.memory_space<vmem>>
      %dma_wait3A_246 = arith.constant 0 : i32
      %dma_wait3A_247 = arith.constant 0 : i32
      %dma_wait3A_248 = tpu.memref_slice %arg2[%dma_wait3A_246, %dma_wait3A_247] : memref<10240x128xf32, #tpu.memory_space<hbm>> -> memref<80x128xf32, #tpu.memory_space<hbm>>
      %dma_wait3A_249 = arith.constant 0 : i32
      %dma_wait3A_250 = arith.constant 0 : i32
      %dma_wait3A_251 = tpu.memref_slice %arg9[%scan3A_27, %dma_wait3A_249, %dma_wait3A_250] : memref<2x80x128xf32, #tpu.memory_space<vmem>> -> memref<1x80x128xf32, #tpu.memory_space<vmem>>
      %dma_wait3A_252 = tpu.memref_squeeze %dma_wait3A_251 : memref<1x80x128xf32, #tpu.memory_space<vmem>> -> memref<80x128xf32, #tpu.memory_space<vmem>>
      %dma_wait3A_253 = arith.constant 0 : i32
      %dma_wait3A_254 = arith.constant 0 : i32
      %dma_wait3A_255 = tpu.memref_slice %arg2[%dma_wait3A_253, %dma_wait3A_254] : memref<10240x128xf32, #tpu.memory_space<hbm>> -> memref<80x128xf32, #tpu.memory_space<hbm>>
      tpu.wait_dma2 semaphore(%arg14 : memref<!tpu.dma_semaphore, #tpu.memory_space<semaphore_mem>>) src(%dma_wait3A_255 : memref<80x128xf32, #tpu.memory_space<hbm>>) dst(%dma_wait3A_252 : memref<80x128xf32, #tpu.memory_space<vmem>>)
      %add3A_256 = arith.constant 3 : i32
      %add3A_257 = arith.addi %mul3A_165, %add3A_256 : i32
      %mul3A_258 = arith.constant 80 : i32
      %mul3A_259 = arith.muli %add3A_257, %mul3A_258 : i32
      %dma_start3A_260 = arith.constant 0 : i32
      %dma_start3A_261 = arith.constant 0 : i32
      %dma_start3A_262 = tpu.memref_slice %arg9[%scan3A_27, %dma_start3A_260, %dma_start3A_261] : memref<2x80x128xf32, #tpu.memory_space<vmem>> -> memref<1x80x128xf32, #tpu.memory_space<vmem>>
      %dma_start3A_263 = tpu.memref_squeeze %dma_start3A_262 : memref<1x80x128xf32, #tpu.memory_space<vmem>> -> memref<80x128xf32, #tpu.memory_space<vmem>>
      %dma_start3A_264 = tpu.memref_slice %arg7[%mul3A_259] : memref<10000xi32, #tpu.memory_space<vmem>> -> memref<80xi32, #tpu.memory_space<vmem>>
      %dma_start3A_265 = arith.constant 0 : i32
      %dma_start3A_266 = arith.constant 0 : i32
      %dma_start3A_267 = tpu.memref_slice %arg2[%dma_start3A_265, %dma_start3A_266] : memref<10240x128xf32, #tpu.memory_space<hbm>> -> memref<10240x128xf32, #tpu.memory_space<hbm>>
      tpu.enqueue_indirect_dma source(%dma_start3A_267 : memref<10240x128xf32, #tpu.memory_space<hbm>>) target(%dma_start3A_263 : memref<80x128xf32, #tpu.memory_space<vmem>>) offsets(%dma_start3A_264 : memref<80xi32, #tpu.memory_space<vmem>>) semaphore(%arg12 : memref<!tpu.dma_semaphore, #tpu.memory_space<semaphore_mem>>)
    }
    %scan3A_32 = arith.constant 61 : i32
    %dma_wait3A = arith.constant 0 : i32
    %dma_wait3A_33 = arith.constant 0 : i32
    %dma_wait3A_34 = arith.constant 0 : i32
    %dma_wait3A_35 = tpu.memref_slice %arg9[%dma_wait3A, %dma_wait3A_33, %dma_wait3A_34] : memref<2x80x128xf32, #tpu.memory_space<vmem>> -> memref<1x80x128xf32, #tpu.memory_space<vmem>>
    %dma_wait3A_36 = tpu.memref_squeeze %dma_wait3A_35 : memref<1x80x128xf32, #tpu.memory_space<vmem>> -> memref<80x128xf32, #tpu.memory_space<vmem>>
    %dma_wait3A_37 = arith.constant 0 : i32
    %dma_wait3A_38 = arith.constant 0 : i32
    %dma_wait3A_39 = tpu.memref_slice %arg2[%dma_wait3A_37, %dma_wait3A_38] : memref<10240x128xf32, #tpu.memory_space<hbm>> -> memref<80x128xf32, #tpu.memory_space<hbm>>
    %dma_wait3A_40 = arith.constant 0 : i32
    %dma_wait3A_41 = arith.constant 0 : i32
    %dma_wait3A_42 = tpu.memref_slice %arg9[%dma_wait3A, %dma_wait3A_40, %dma_wait3A_41] : memref<2x80x128xf32, #tpu.memory_space<vmem>> -> memref<1x80x128xf32, #tpu.memory_space<vmem>>
    %dma_wait3A_43 = tpu.memref_squeeze %dma_wait3A_42 : memref<1x80x128xf32, #tpu.memory_space<vmem>> -> memref<80x128xf32, #tpu.memory_space<vmem>>
    %dma_wait3A_44 = arith.constant 0 : i32
    %dma_wait3A_45 = arith.constant 0 : i32
    %dma_wait3A_46 = tpu.memref_slice %arg2[%dma_wait3A_44, %dma_wait3A_45] : memref<10240x128xf32, #tpu.memory_space<hbm>> -> memref<80x128xf32, #tpu.memory_space<hbm>>
    tpu.wait_dma2 semaphore(%arg11 : memref<!tpu.dma_semaphore, #tpu.memory_space<semaphore_mem>>) src(%dma_wait3A_46 : memref<80x128xf32, #tpu.memory_space<hbm>>) dst(%dma_wait3A_43 : memref<80x128xf32, #tpu.memory_space<vmem>>)
    %dma_start3A_47 = arith.constant 0 : i32
    %dma_start3A_48 = arith.constant 0 : i32
    %dma_start3A_49 = arith.constant 0 : i32
    %dma_start3A_50 = tpu.memref_slice %arg9[%dma_start3A_47, %dma_start3A_48, %dma_start3A_49] : memref<2x80x128xf32, #tpu.memory_space<vmem>> -> memref<1x80x128xf32, #tpu.memory_space<vmem>>
    %dma_start3A_51 = tpu.memref_squeeze %dma_start3A_50 : memref<1x80x128xf32, #tpu.memory_space<vmem>> -> memref<80x128xf32, #tpu.memory_space<vmem>>
    %dma_start3A_52 = arith.constant 9760 : i32
    %dma_start3A_53 = tpu.memref_slice %arg8[%dma_start3A_52] : memref<10000xi32, #tpu.memory_space<vmem>> -> memref<80xi32, #tpu.memory_space<vmem>>
    %dma_start3A_54 = arith.constant 0 : i32
    %dma_start3A_55 = arith.constant 0 : i32
    %dma_start3A_56 = tpu.memref_slice %arg10[%dma_start3A_54, %dma_start3A_55] : memref<10240x128xf32, #tpu.memory_space<vmem_shared>> -> memref<10240x128xf32, #tpu.memory_space<vmem_shared>>
    tpu.enqueue_indirect_dma source(%dma_start3A_51 : memref<80x128xf32, #tpu.memory_space<vmem>>) target(%dma_start3A_56 : memref<10240x128xf32, #tpu.memory_space<vmem_shared>>) offsets(%dma_start3A_53 : memref<80xi32, #tpu.memory_space<vmem>>) semaphore(%arg13 : memref<!tpu.dma_semaphore, #tpu.memory_space<semaphore_mem>>) {add = true}
    %dma_wait3A_57 = arith.constant 0 : i32
    %dma_wait3A_58 = arith.constant 0 : i32
    %dma_wait3A_59 = arith.constant 0 : i32
    %dma_wait3A_60 = tpu.memref_slice %arg9[%dma_wait3A_57, %dma_wait3A_58, %dma_wait3A_59] : memref<2x80x128xf32, #tpu.memory_space<vmem>> -> memref<1x80x128xf32, #tpu.memory_space<vmem>>
    %dma_wait3A_61 = tpu.memref_squeeze %dma_wait3A_60 : memref<1x80x128xf32, #tpu.memory_space<vmem>> -> memref<80x128xf32, #tpu.memory_space<vmem>>
    %dma_wait3A_62 = arith.constant 0 : i32
    %dma_wait3A_63 = arith.constant 0 : i32
    %dma_wait3A_64 = tpu.memref_slice %arg2[%dma_wait3A_62, %dma_wait3A_63] : memref<10240x128xf32, #tpu.memory_space<hbm>> -> memref<80x128xf32, #tpu.memory_space<hbm>>
    %dma_wait3A_65 = arith.constant 0 : i32
    %dma_wait3A_66 = arith.constant 0 : i32
    %dma_wait3A_67 = tpu.memref_slice %arg9[%dma_wait3A_57, %dma_wait3A_65, %dma_wait3A_66] : memref<2x80x128xf32, #tpu.memory_space<vmem>> -> memref<1x80x128xf32, #tpu.memory_space<vmem>>
    %dma_wait3A_68 = tpu.memref_squeeze %dma_wait3A_67 : memref<1x80x128xf32, #tpu.memory_space<vmem>> -> memref<80x128xf32, #tpu.memory_space<vmem>>
    %dma_wait3A_69 = arith.constant 0 : i32
    %dma_wait3A_70 = arith.constant 0 : i32
    %dma_wait3A_71 = tpu.memref_slice %arg2[%dma_wait3A_69, %dma_wait3A_70] : memref<10240x128xf32, #tpu.memory_space<hbm>> -> memref<80x128xf32, #tpu.memory_space<hbm>>
    tpu.wait_dma2 semaphore(%arg13 : memref<!tpu.dma_semaphore, #tpu.memory_space<semaphore_mem>>) src(%dma_wait3A_71 : memref<80x128xf32, #tpu.memory_space<hbm>>) dst(%dma_wait3A_68 : memref<80x128xf32, #tpu.memory_space<vmem>>)
    %dma_start3A_72 = arith.constant 0 : i32
    %dma_start3A_73 = arith.constant 0 : i32
    %dma_start3A_74 = arith.constant 0 : i32
    %dma_start3A_75 = tpu.memref_slice %arg9[%dma_start3A_72, %dma_start3A_73, %dma_start3A_74] : memref<2x80x128xf32, #tpu.memory_space<vmem>> -> memref<1x80x128xf32, #tpu.memory_space<vmem>>
    %dma_start3A_76 = tpu.memref_squeeze %dma_start3A_75 : memref<1x80x128xf32, #tpu.memory_space<vmem>> -> memref<80x128xf32, #tpu.memory_space<vmem>>
    %dma_start3A_77 = arith.constant 9920 : i32
    %dma_start3A_78 = tpu.memref_slice %arg7[%dma_start3A_77] : memref<10000xi32, #tpu.memory_space<vmem>> -> memref<80xi32, #tpu.memory_space<vmem>>
    %dma_start3A_79 = arith.constant 0 : i32
    %dma_start3A_80 = arith.constant 0 : i32
    %dma_start3A_81 = tpu.memref_slice %arg2[%dma_start3A_79, %dma_start3A_80] : memref<10240x128xf32, #tpu.memory_space<hbm>> -> memref<10240x128xf32, #tpu.memory_space<hbm>>
    tpu.enqueue_indirect_dma source(%dma_start3A_81 : memref<10240x128xf32, #tpu.memory_space<hbm>>) target(%dma_start3A_76 : memref<80x128xf32, #tpu.memory_space<vmem>>) offsets(%dma_start3A_78 : memref<80xi32, #tpu.memory_space<vmem>>) semaphore(%arg11 : memref<!tpu.dma_semaphore, #tpu.memory_space<semaphore_mem>>)
    %dma_wait3A_82 = arith.constant 1 : i32
    %dma_wait3A_83 = arith.constant 0 : i32
    %dma_wait3A_84 = arith.constant 0 : i32
    %dma_wait3A_85 = tpu.memref_slice %arg9[%dma_wait3A_82, %dma_wait3A_83, %dma_wait3A_84] : memref<2x80x128xf32, #tpu.memory_space<vmem>> -> memref<1x80x128xf32, #tpu.memory_space<vmem>>
    %dma_wait3A_86 = tpu.memref_squeeze %dma_wait3A_85 : memref<1x80x128xf32, #tpu.memory_space<vmem>> -> memref<80x128xf32, #tpu.memory_space<vmem>>
    %dma_wait3A_87 = arith.constant 0 : i32
    %dma_wait3A_88 = arith.constant 0 : i32
    %dma_wait3A_89 = tpu.memref_slice %arg2[%dma_wait3A_87, %dma_wait3A_88] : memref<10240x128xf32, #tpu.memory_space<hbm>> -> memref<80x128xf32, #tpu.memory_space<hbm>>
    %dma_wait3A_90 = arith.constant 0 : i32
    %dma_wait3A_91 = arith.constant 0 : i32
    %dma_wait3A_92 = tpu.memref_slice %arg9[%dma_wait3A_82, %dma_wait3A_90, %dma_wait3A_91] : memref<2x80x128xf32, #tpu.memory_space<vmem>> -> memref<1x80x128xf32, #tpu.memory_space<vmem>>
    %dma_wait3A_93 = tpu.memref_squeeze %dma_wait3A_92 : memref<1x80x128xf32, #tpu.memory_space<vmem>> -> memref<80x128xf32, #tpu.memory_space<vmem>>
    %dma_wait3A_94 = arith.constant 0 : i32
    %dma_wait3A_95 = arith.constant 0 : i32
    %dma_wait3A_96 = tpu.memref_slice %arg2[%dma_wait3A_94, %dma_wait3A_95] : memref<10240x128xf32, #tpu.memory_space<hbm>> -> memref<80x128xf32, #tpu.memory_space<hbm>>
    tpu.wait_dma2 semaphore(%arg12 : memref<!tpu.dma_semaphore, #tpu.memory_space<semaphore_mem>>) src(%dma_wait3A_96 : memref<80x128xf32, #tpu.memory_space<hbm>>) dst(%dma_wait3A_93 : memref<80x128xf32, #tpu.memory_space<vmem>>)
    %dma_start3A_97 = arith.constant 1 : i32
    %dma_start3A_98 = arith.constant 0 : i32
    %dma_start3A_99 = arith.constant 0 : i32
    %dma_start3A_100 = tpu.memref_slice %arg9[%dma_start3A_97, %dma_start3A_98, %dma_start3A_99] : memref<2x80x128xf32, #tpu.memory_space<vmem>> -> memref<1x80x128xf32, #tpu.memory_space<vmem>>
    %dma_start3A_101 = tpu.memref_squeeze %dma_start3A_100 : memref<1x80x128xf32, #tpu.memory_space<vmem>> -> memref<80x128xf32, #tpu.memory_space<vmem>>
    %dma_start3A_102 = arith.constant 9840 : i32
    %dma_start3A_103 = tpu.memref_slice %arg8[%dma_start3A_102] : memref<10000xi32, #tpu.memory_space<vmem>> -> memref<80xi32, #tpu.memory_space<vmem>>
    %dma_start3A_104 = arith.constant 0 : i32
    %dma_start3A_105 = arith.constant 0 : i32
    %dma_start3A_106 = tpu.memref_slice %arg10[%dma_start3A_104, %dma_start3A_105] : memref<10240x128xf32, #tpu.memory_space<vmem_shared>> -> memref<10240x128xf32, #tpu.memory_space<vmem_shared>>
    tpu.enqueue_indirect_dma source(%dma_start3A_101 : memref<80x128xf32, #tpu.memory_space<vmem>>) target(%dma_start3A_106 : memref<10240x128xf32, #tpu.memory_space<vmem_shared>>) offsets(%dma_start3A_103 : memref<80xi32, #tpu.memory_space<vmem>>) semaphore(%arg14 : memref<!tpu.dma_semaphore, #tpu.memory_space<semaphore_mem>>) {add = true}
    %dma_wait3A_107 = arith.constant 1 : i32
    %dma_wait3A_108 = arith.constant 0 : i32
    %dma_wait3A_109 = arith.constant 0 : i32
    %dma_wait3A_110 = tpu.memref_slice %arg9[%dma_wait3A_107, %dma_wait3A_108, %dma_wait3A_109] : memref<2x80x128xf32, #tpu.memory_space<vmem>> -> memref<1x80x128xf32, #tpu.memory_space<vmem>>
    %dma_wait3A_111 = tpu.memref_squeeze %dma_wait3A_110 : memref<1x80x128xf32, #tpu.memory_space<vmem>> -> memref<80x128xf32, #tpu.memory_space<vmem>>
    %dma_wait3A_112 = arith.constant 0 : i32
    %dma_wait3A_113 = arith.constant 0 : i32
    %dma_wait3A_114 = tpu.memref_slice %arg2[%dma_wait3A_112, %dma_wait3A_113] : memref<10240x128xf32, #tpu.memory_space<hbm>> -> memref<80x128xf32, #tpu.memory_space<hbm>>
    %dma_wait3A_115 = arith.constant 0 : i32
    %dma_wait3A_116 = arith.constant 0 : i32
    %dma_wait3A_117 = tpu.memref_slice %arg9[%dma_wait3A_107, %dma_wait3A_115, %dma_wait3A_116] : memref<2x80x128xf32, #tpu.memory_space<vmem>> -> memref<1x80x128xf32, #tpu.memory_space<vmem>>
    %dma_wait3A_118 = tpu.memref_squeeze %dma_wait3A_117 : memref<1x80x128xf32, #tpu.memory_space<vmem>> -> memref<80x128xf32, #tpu.memory_space<vmem>>
    %dma_wait3A_119 = arith.constant 0 : i32
    %dma_wait3A_120 = arith.constant 0 : i32
    %dma_wait3A_121 = tpu.memref_slice %arg2[%dma_wait3A_119, %dma_wait3A_120] : memref<10240x128xf32, #tpu.memory_space<hbm>> -> memref<80x128xf32, #tpu.memory_space<hbm>>
    tpu.wait_dma2 semaphore(%arg14 : memref<!tpu.dma_semaphore, #tpu.memory_space<semaphore_mem>>) src(%dma_wait3A_121 : memref<80x128xf32, #tpu.memory_space<hbm>>) dst(%dma_wait3A_118 : memref<80x128xf32, #tpu.memory_space<vmem>>)
    %dma_wait3A_122 = arith.constant 0 : i32
    %dma_wait3A_123 = arith.constant 0 : i32
    %dma_wait3A_124 = arith.constant 0 : i32
    %dma_wait3A_125 = tpu.memref_slice %arg9[%dma_wait3A_122, %dma_wait3A_123, %dma_wait3A_124] : memref<2x80x128xf32, #tpu.memory_space<vmem>> -> memref<1x80x128xf32, #tpu.memory_space<vmem>>
    %dma_wait3A_126 = tpu.memref_squeeze %dma_wait3A_125 : memref<1x80x128xf32, #tpu.memory_space<vmem>> -> memref<80x128xf32, #tpu.memory_space<vmem>>
    %dma_wait3A_127 = arith.constant 0 : i32
    %dma_wait3A_128 = arith.constant 0 : i32
    %dma_wait3A_129 = tpu.memref_slice %arg2[%dma_wait3A_127, %dma_wait3A_128] : memref<10240x128xf32, #tpu.memory_space<hbm>> -> memref<80x128xf32, #tpu.memory_space<hbm>>
    %dma_wait3A_130 = arith.constant 0 : i32
    %dma_wait3A_131 = arith.constant 0 : i32
    %dma_wait3A_132 = tpu.memref_slice %arg9[%dma_wait3A_122, %dma_wait3A_130, %dma_wait3A_131] : memref<2x80x128xf32, #tpu.memory_space<vmem>> -> memref<1x80x128xf32, #tpu.memory_space<vmem>>
    %dma_wait3A_133 = tpu.memref_squeeze %dma_wait3A_132 : memref<1x80x128xf32, #tpu.memory_space<vmem>> -> memref<80x128xf32, #tpu.memory_space<vmem>>
    %dma_wait3A_134 = arith.constant 0 : i32
    %dma_wait3A_135 = arith.constant 0 : i32
    %dma_wait3A_136 = tpu.memref_slice %arg2[%dma_wait3A_134, %dma_wait3A_135] : memref<10240x128xf32, #tpu.memory_space<hbm>> -> memref<80x128xf32, #tpu.memory_space<hbm>>
    tpu.wait_dma2 semaphore(%arg11 : memref<!tpu.dma_semaphore, #tpu.memory_space<semaphore_mem>>) src(%dma_wait3A_136 : memref<80x128xf32, #tpu.memory_space<hbm>>) dst(%dma_wait3A_133 : memref<80x128xf32, #tpu.memory_space<vmem>>)
    %dma_start3A_137 = arith.constant 0 : i32
    %dma_start3A_138 = arith.constant 0 : i32
    %dma_start3A_139 = arith.constant 0 : i32
    %dma_start3A_140 = tpu.memref_slice %arg9[%dma_start3A_137, %dma_start3A_138, %dma_start3A_139] : memref<2x80x128xf32, #tpu.memory_space<vmem>> -> memref<1x80x128xf32, #tpu.memory_space<vmem>>
    %dma_start3A_141 = tpu.memref_squeeze %dma_start3A_140 : memref<1x80x128xf32, #tpu.memory_space<vmem>> -> memref<80x128xf32, #tpu.memory_space<vmem>>
    %dma_start3A_142 = arith.constant 9920 : i32
    %dma_start3A_143 = tpu.memref_slice %arg8[%dma_start3A_142] : memref<10000xi32, #tpu.memory_space<vmem>> -> memref<80xi32, #tpu.memory_space<vmem>>
    %dma_start3A_144 = arith.constant 0 : i32
    %dma_start3A_145 = arith.constant 0 : i32
    %dma_start3A_146 = tpu.memref_slice %arg10[%dma_start3A_144, %dma_start3A_145] : memref<10240x128xf32, #tpu.memory_space<vmem_shared>> -> memref<10240x128xf32, #tpu.memory_space<vmem_shared>>
    tpu.enqueue_indirect_dma source(%dma_start3A_141 : memref<80x128xf32, #tpu.memory_space<vmem>>) target(%dma_start3A_146 : memref<10240x128xf32, #tpu.memory_space<vmem_shared>>) offsets(%dma_start3A_143 : memref<80xi32, #tpu.memory_space<vmem>>) semaphore(%arg13 : memref<!tpu.dma_semaphore, #tpu.memory_space<semaphore_mem>>) {add = true}
    %dma_wait3A_147 = arith.constant 0 : i32
    %dma_wait3A_148 = arith.constant 0 : i32
    %dma_wait3A_149 = arith.constant 0 : i32
    %dma_wait3A_150 = tpu.memref_slice %arg9[%dma_wait3A_147, %dma_wait3A_148, %dma_wait3A_149] : memref<2x80x128xf32, #tpu.memory_space<vmem>> -> memref<1x80x128xf32, #tpu.memory_space<vmem>>
    %dma_wait3A_151 = tpu.memref_squeeze %dma_wait3A_150 : memref<1x80x128xf32, #tpu.memory_space<vmem>> -> memref<80x128xf32, #tpu.memory_space<vmem>>
    %dma_wait3A_152 = arith.constant 0 : i32
    %dma_wait3A_153 = arith.constant 0 : i32
    %dma_wait3A_154 = tpu.memref_slice %arg2[%dma_wait3A_152, %dma_wait3A_153] : memref<10240x128xf32, #tpu.memory_space<hbm>> -> memref<80x128xf32, #tpu.memory_space<hbm>>
    %dma_wait3A_155 = arith.constant 0 : i32
    %dma_wait3A_156 = arith.constant 0 : i32
    %dma_wait3A_157 = tpu.memref_slice %arg9[%dma_wait3A_147, %dma_wait3A_155, %dma_wait3A_156] : memref<2x80x128xf32, #tpu.memory_space<vmem>> -> memref<1x80x128xf32, #tpu.memory_space<vmem>>
    %dma_wait3A_158 = tpu.memref_squeeze %dma_wait3A_157 : memref<1x80x128xf32, #tpu.memory_space<vmem>> -> memref<80x128xf32, #tpu.memory_space<vmem>>
    %dma_wait3A_159 = arith.constant 0 : i32
    %dma_wait3A_160 = arith.constant 0 : i32
    %dma_wait3A_161 = tpu.memref_slice %arg2[%dma_wait3A_159, %dma_wait3A_160] : memref<10240x128xf32, #tpu.memory_space<hbm>> -> memref<80x128xf32, #tpu.memory_space<hbm>>
    tpu.wait_dma2 semaphore(%arg13 : memref<!tpu.dma_semaphore, #tpu.memory_space<semaphore_mem>>) src(%dma_wait3A_161 : memref<80x128xf32, #tpu.memory_space<hbm>>) dst(%dma_wait3A_158 : memref<80x128xf32, #tpu.memory_space<vmem>>)
    %barrier3A_162 = arith.constant 0 : index
    tpu.barrier barrier_id(%barrier3A_162)
    "tpu.region"() ({
      %run_scoped3A = tpu.sem_alloc : memref<!tpu.dma_semaphore, #tpu.memory_space<semaphore_mem>>
      %dma_start3A_163 = arith.constant 0 : i32
      %dma_start3A_164 = tpu.memref_slice %arg6[%arg0, %mul3A_2, %dma_start3A_163] : memref<2x10240x128xf32, #tpu.memory_space<hbm>> -> memref<1x640x128xf32, #tpu.memory_space<hbm>>
      %dma_start3A_165 = tpu.memref_squeeze %dma_start3A_164 : memref<1x640x128xf32, #tpu.memory_space<hbm>> -> memref<640x128xf32, #tpu.memory_space<hbm>>
      %dma_start3A_166 = arith.constant 0 : i32
      %dma_start3A_167 = tpu.memref_slice %arg10[%mul3A_2, %dma_start3A_166] : memref<10240x128xf32, #tpu.memory_space<vmem_shared>> -> memref<640x128xf32, #tpu.memory_space<vmem_shared>>
      tpu.enqueue_dma source(%dma_start3A_167 : memref<640x128xf32, #tpu.memory_space<vmem_shared>>) target(%dma_start3A_165 : memref<640x128xf32, #tpu.memory_space<hbm>>) target_semaphore(%run_scoped3A : memref<!tpu.dma_semaphore, #tpu.memory_space<semaphore_mem>>)
      %dma_wait3A_168 = arith.constant 0 : i32
      %dma_wait3A_169 = tpu.memref_slice %arg6[%arg0, %mul3A_2, %dma_wait3A_168] : memref<2x10240x128xf32, #tpu.memory_space<hbm>> -> memref<1x640x128xf32, #tpu.memory_space<hbm>>
      %dma_wait3A_170 = tpu.memref_squeeze %dma_wait3A_169 : memref<1x640x128xf32, #tpu.memory_space<hbm>> -> memref<640x128xf32, #tpu.memory_space<hbm>>
      %dma_wait3A_171 = arith.constant 0 : i32
      %dma_wait3A_172 = tpu.memref_slice %arg10[%mul3A_2, %dma_wait3A_171] : memref<10240x128xf32, #tpu.memory_space<vmem_shared>> -> memref<640x128xf32, #tpu.memory_space<vmem_shared>>
      tpu.wait_dma2 semaphore(%run_scoped3A : memref<!tpu.dma_semaphore, #tpu.memory_space<semaphore_mem>>) src(%dma_wait3A_172 : memref<640x128xf32, #tpu.memory_space<vmem_shared>>) dst(%dma_wait3A_170 : memref<640x128xf32, #tpu.memory_space<hbm>>)
      tpu.yield
    }) : () -> ()
    return
  }
}

module attributes {stable_mosaic.version = 14 : i64} {
  func.func @_prep_body(%arg0: memref<32x10240xf32, #tpu.memory_space<vmem>>, %arg1: memref<10240x128xf32, #tpu.memory_space<vmem>>, %arg2: memref<10240xf32, #tpu.memory_space<vmem>>, %arg3: memref<10240x128xf32, #tpu.memory_space<vmem>>) attributes {dimension_semantics = [], scalar_prefetch = 0 : i64, scratch_operands = 0 : i64, tpu.core_type = #tpu.core_type<tc>} {
    %get3A = arith.constant 0 : index
    %get3A_0 = arith.constant 0 : index
    %get3A_1 = vector.load %arg0[%get3A, %get3A_0] : memref<32x10240xf32, #tpu.memory_space<vmem>>, vector<32x10240xf32>
    %reduce_sum3A = arith.constant dense<0.000000e+00> : vector<10240xf32>
    %reduce_sum3A_2 = vector.multi_reduction <add>, %get3A_1, %reduce_sum3A [0] : vector<32x10240xf32> to vector<10240xf32>
    %add3A = arith.constant 1.000000e+00 : f32
    %add3A_3 = vector.broadcast %add3A : f32 to vector<10240xf32>
    %add3A_4 = arith.addf %reduce_sum3A_2, %add3A_3 : vector<10240xf32>
    %rsqrt3A = math.rsqrt %add3A_4 : vector<10240xf32>
    %swap3A = arith.constant 0 : index
    %swap3A_5 = vector.load %arg2[%swap3A] : memref<10240xf32, #tpu.memory_space<vmem>>, vector<10240xf32>
    tpu.vector_store %arg2[%swap3A], %rsqrt3A {strides = array<i32>} : memref<10240xf32, #tpu.memory_space<vmem>>, vector<10240xf32>,
    %get3A_6 = arith.constant 0 : index
    %get3A_7 = arith.constant 0 : index
    %get3A_8 = vector.load %arg1[%get3A_6, %get3A_7] : memref<10240x128xf32, #tpu.memory_space<vmem>>, vector<10240x128xf32>
    %broadcast_in_dim3A = vector.shape_cast %rsqrt3A : vector<10240xf32> to vector<10240x1xf32>
    %mul3A = vector.broadcast %broadcast_in_dim3A : vector<10240x1xf32> to vector<10240x128xf32>
    %mul3A_9 = arith.mulf %get3A_8, %mul3A : vector<10240x128xf32>
    %swap3A_10 = arith.constant 0 : index
    %swap3A_11 = arith.constant 0 : index
    %swap3A_12 = vector.load %arg3[%swap3A_10, %swap3A_11] : memref<10240x128xf32, #tpu.memory_space<vmem>>, vector<10240x128xf32>
    tpu.vector_store %arg3[%swap3A_10, %swap3A_11], %mul3A_9 {strides = array<i32>} : memref<10240x128xf32, #tpu.memory_space<vmem>>, vector<10240x128xf32>,
    return
  }
}

module attributes {stable_mosaic.version = 14 : i64} {
  func.func @_layer1_body(%arg0: i32, %arg1: memref<2x1024x128xf32, #tpu.memory_space<vmem>>, %arg2: memref<1024x128xf32, #tpu.memory_space<vmem>>, %arg3: memref<1024xf32, #tpu.memory_space<vmem>>, %arg4: memref<128x128xf32, #tpu.memory_space<vmem>>, %arg5: memref<128xf32, #tpu.memory_space<vmem>>, %arg6: memref<1024x128xf32, #tpu.memory_space<vmem>>) attributes {dimension_semantics = [#tpu.dimension_semantics<arbitrary>], iteration_bounds = array<i64: 10>, scalar_prefetch = 0 : i64, scratch_operands = 0 : i64, tpu.core_type = #tpu.core_type<tc>, window_params = [{transform_indices = @transform_0, window_bounds = array<i64: 2, 1024, 128>}, {transform_indices = @transform_1, window_bounds = array<i64: 1024, 128>}, {transform_indices = @transform_2, window_bounds = array<i64: 1024>}, {pipeline_mode = #tpu.pipeline_mode<synchronous>, transform_indices = @transform_3, window_bounds = array<i64: 128, 128>}, {pipeline_mode = #tpu.pipeline_mode<synchronous>, transform_indices = @transform_4, window_bounds = array<i64: 128>}, {transform_indices = @transform_5, window_bounds = array<i64: 1024, 128>}]} {
    %get3A = arith.constant 0 : index
    %get3A_0 = arith.constant 0 : index
    %get3A_1 = arith.constant 0 : index
    %get3A_2 = vector.load %arg1[%get3A, %get3A_0, %get3A_1] : memref<2x1024x128xf32, #tpu.memory_space<vmem>>, vector<1x1024x128xf32>
    %get3A_3 = vector.shape_cast %get3A_2 : vector<1x1024x128xf32> to vector<1024x128xf32>
    %get3A_4 = arith.constant 1 : index
    %get3A_5 = arith.constant 0 : index
    %get3A_6 = arith.constant 0 : index
    %get3A_7 = vector.load %arg1[%get3A_4, %get3A_5, %get3A_6] : memref<2x1024x128xf32, #tpu.memory_space<vmem>>, vector<1x1024x128xf32>
    %get3A_8 = vector.shape_cast %get3A_7 : vector<1x1024x128xf32> to vector<1024x128xf32>
    %add3A = arith.addf %get3A_3, %get3A_8 : vector<1024x128xf32>
    %get3A_9 = arith.constant 0 : index
    %get3A_10 = arith.constant 0 : index
    %get3A_11 = vector.load %arg2[%get3A_9, %get3A_10] : memref<1024x128xf32, #tpu.memory_space<vmem>>, vector<1024x128xf32>
    %add3A_12 = arith.addf %add3A, %get3A_11 : vector<1024x128xf32>
    %get3A_13 = arith.constant 0 : index
    %get3A_14 = vector.load %arg3[%get3A_13] : memref<1024xf32, #tpu.memory_space<vmem>>, vector<1024xf32>
    %broadcast_in_dim3A = vector.shape_cast %get3A_14 : vector<1024xf32> to vector<1024x1xf32>
    %mul3A = vector.broadcast %broadcast_in_dim3A : vector<1024x1xf32> to vector<1024x128xf32>
    %mul3A_15 = arith.mulf %add3A_12, %mul3A : vector<1024x128xf32>
    %get3A_16 = arith.constant 0 : index
    %get3A_17 = arith.constant 0 : index
    %get3A_18 = vector.load %arg4[%get3A_16, %get3A_17] : memref<128x128xf32, #tpu.memory_space<vmem>>, vector<128x128xf32>
    %dot_general3A = arith.constant dense<0.000000e+00> : vector<1024x128xf32>
    %dot_general3A_19 = tpu.matmul %mul3A_15, %get3A_18, %dot_general3A {dimension_numbers = #tpu.dot_dimension_numbers<[1], [0], [0], [1], [0, 0, 1, 1], [], []>, transpose_lhs_hint = false} : vector<1024x128xf32>, vector<128x128xf32>, vector<1024x128xf32> -> vector<1024x128xf32>
    %get3A_20 = arith.constant 0 : index
    %get3A_21 = vector.load %arg5[%get3A_20] : memref<128xf32, #tpu.memory_space<vmem>>, vector<128xf32>
    %broadcast_in_dim3A_22 = vector.shape_cast %get3A_21 : vector<128xf32> to vector<1x128xf32>
    %add3A_23 = vector.broadcast %broadcast_in_dim3A_22 : vector<1x128xf32> to vector<1024x128xf32>
    %add3A_24 = arith.addf %dot_general3A_19, %add3A_23 : vector<1024x128xf32>
    %max3A = arith.constant 0.000000e+00 : f32
    %max3A_25 = vector.broadcast %max3A : f32 to vector<1024x128xf32>
    %max3A_26 = arith.maximumf %add3A_24, %max3A_25 : vector<1024x128xf32>
    %broadcast_in_dim3A_27 = vector.shape_cast %get3A_14 : vector<1024xf32> to vector<1024x1xf32>
    %mul3A_28 = vector.broadcast %broadcast_in_dim3A_27 : vector<1024x1xf32> to vector<1024x128xf32>
    %mul3A_29 = arith.mulf %max3A_26, %mul3A_28 : vector<1024x128xf32>
    %swap3A = arith.constant 0 : index
    %swap3A_30 = arith.constant 0 : index
    %swap3A_31 = vector.load %arg6[%swap3A, %swap3A_30] : memref<1024x128xf32, #tpu.memory_space<vmem>>, vector<1024x128xf32>
    tpu.vector_store %arg6[%swap3A, %swap3A_30], %mul3A_29 {strides = array<i32>} : memref<1024x128xf32, #tpu.memory_space<vmem>>, vector<1024x128xf32>,
    return
  }
  func.func @transform_0(%arg0: i32) -> (i32, i32, i32) {
    %c0_i32 = arith.constant 0 : i32
    %c0_i32_0 = arith.constant 0 : i32
    %c0_i32_1 = arith.constant 0 : i32
    return %c0_i32, %arg0, %c0_i32_0 : i32, i32, i32
  }
  func.func @transform_1(%arg0: i32) -> (i32, i32) {
    %c0_i32 = arith.constant 0 : i32
    %c0_i32_0 = arith.constant 0 : i32
    return %arg0, %c0_i32 : i32, i32
  }
  func.func @transform_2(%arg0: i32) -> i32 {
    %c0_i32 = arith.constant 0 : i32
    return %arg0 : i32
  }
  func.func @transform_3(%arg0: i32) -> (i32, i32) {
    %c0_i32 = arith.constant 0 : i32
    %c0_i32_0 = arith.constant 0 : i32
    %c0_i32_1 = arith.constant 0 : i32
    return %c0_i32, %c0_i32_0 : i32, i32
  }
  func.func @transform_4(%arg0: i32) -> i32 {
    %c0_i32 = arith.constant 0 : i32
    %c0_i32_0 = arith.constant 0 : i32
    return %c0_i32 : i32
  }
  func.func @transform_5(%arg0: i32) -> (i32, i32) {
    %c0_i32 = arith.constant 0 : i32
    %c0_i32_0 = arith.constant 0 : i32
    return %arg0, %c0_i32 : i32, i32
  }
}

module attributes {stable_mosaic.version = 14 : i64} {
  func.func @_layer23_body(%arg0: i32, %arg1: memref<2x1024x128xf32, #tpu.memory_space<vmem>>, %arg2: memref<1024x128xf32, #tpu.memory_space<vmem>>, %arg3: memref<1024xf32, #tpu.memory_space<vmem>>, %arg4: memref<128x128xf32, #tpu.memory_space<vmem>>, %arg5: memref<128xf32, #tpu.memory_space<vmem>>, %arg6: memref<1024x128xf32, #tpu.memory_space<vmem>>) attributes {dimension_semantics = [#tpu.dimension_semantics<arbitrary>], iteration_bounds = array<i64: 10>, scalar_prefetch = 0 : i64, scratch_operands = 0 : i64, tpu.core_type = #tpu.core_type<tc>, window_params = [{transform_indices = @transform_0, window_bounds = array<i64: 2, 1024, 128>}, {transform_indices = @transform_1, window_bounds = array<i64: 1024, 128>}, {transform_indices = @transform_2, window_bounds = array<i64: 1024>}, {pipeline_mode = #tpu.pipeline_mode<synchronous>, transform_indices = @transform_3, window_bounds = array<i64: 128, 128>}, {pipeline_mode = #tpu.pipeline_mode<synchronous>, transform_indices = @transform_4, window_bounds = array<i64: 128>}, {transform_indices = @transform_5, window_bounds = array<i64: 1024, 128>}]} {
    %get3A = arith.constant 0 : index
    %get3A_0 = arith.constant 0 : index
    %get3A_1 = arith.constant 0 : index
    %get3A_2 = vector.load %arg1[%get3A, %get3A_0, %get3A_1] : memref<2x1024x128xf32, #tpu.memory_space<vmem>>, vector<1x1024x128xf32>
    %get3A_3 = vector.shape_cast %get3A_2 : vector<1x1024x128xf32> to vector<1024x128xf32>
    %get3A_4 = arith.constant 1 : index
    %get3A_5 = arith.constant 0 : index
    %get3A_6 = arith.constant 0 : index
    %get3A_7 = vector.load %arg1[%get3A_4, %get3A_5, %get3A_6] : memref<2x1024x128xf32, #tpu.memory_space<vmem>>, vector<1x1024x128xf32>
    %get3A_8 = vector.shape_cast %get3A_7 : vector<1x1024x128xf32> to vector<1024x128xf32>
    %add3A = arith.addf %get3A_3, %get3A_8 : vector<1024x128xf32>
    %get3A_9 = arith.constant 0 : index
    %get3A_10 = arith.constant 0 : index
    %get3A_11 = vector.load %arg2[%get3A_9, %get3A_10] : memref<1024x128xf32, #tpu.memory_space<vmem>>, vector<1024x128xf32>
    %add3A_12 = arith.addf %add3A, %get3A_11 : vector<1024x128xf32>
    %get3A_13 = arith.constant 0 : index
    %get3A_14 = vector.load %arg3[%get3A_13] : memref<1024xf32, #tpu.memory_space<vmem>>, vector<1024xf32>
    %broadcast_in_dim3A = vector.shape_cast %get3A_14 : vector<1024xf32> to vector<1024x1xf32>
    %mul3A = vector.broadcast %broadcast_in_dim3A : vector<1024x1xf32> to vector<1024x128xf32>
    %mul3A_15 = arith.mulf %add3A_12, %mul3A : vector<1024x128xf32>
    %get3A_16 = arith.constant 0 : index
    %get3A_17 = arith.constant 0 : index
    %get3A_18 = vector.load %arg4[%get3A_16, %get3A_17] : memref<128x128xf32, #tpu.memory_space<vmem>>, vector<128x128xf32>
    %dot_general3A = arith.constant dense<0.000000e+00> : vector<1024x128xf32>
    %dot_general3A_19 = tpu.matmul %mul3A_15, %get3A_18, %dot_general3A {dimension_numbers = #tpu.dot_dimension_numbers<[1], [0], [0], [1], [0, 0, 1, 1], [], []>, transpose_lhs_hint = false} : vector<1024x128xf32>, vector<128x128xf32>, vector<1024x128xf32> -> vector<1024x128xf32>
    %get3A_20 = arith.constant 0 : index
    %get3A_21 = vector.load %arg5[%get3A_20] : memref<128xf32, #tpu.memory_space<vmem>>, vector<128xf32>
    %broadcast_in_dim3A_22 = vector.shape_cast %get3A_21 : vector<128xf32> to vector<1x128xf32>
    %add3A_23 = vector.broadcast %broadcast_in_dim3A_22 : vector<1x128xf32> to vector<1024x128xf32>
    %add3A_24 = arith.addf %dot_general3A_19, %add3A_23 : vector<1024x128xf32>
    %swap3A = arith.constant 0 : index
    %swap3A_25 = arith.constant 0 : index
    %swap3A_26 = vector.load %arg6[%swap3A, %swap3A_25] : memref<1024x128xf32, #tpu.memory_space<vmem>>, vector<1024x128xf32>
    tpu.vector_store %arg6[%swap3A, %swap3A_25], %add3A_24 {strides = array<i32>} : memref<1024x128xf32, #tpu.memory_space<vmem>>, vector<1024x128xf32>,
    return
  }
  func.func @transform_0(%arg0: i32) -> (i32, i32, i32) {
    %c0_i32 = arith.constant 0 : i32
    %c0_i32_0 = arith.constant 0 : i32
    %c0_i32_1 = arith.constant 0 : i32
    return %c0_i32, %arg0, %c0_i32_0 : i32, i32, i32
  }
  func.func @transform_1(%arg0: i32) -> (i32, i32) {
    %c0_i32 = arith.constant 0 : i32
    %c0_i32_0 = arith.constant 0 : i32
    return %arg0, %c0_i32 : i32, i32
  }
  func.func @transform_2(%arg0: i32) -> i32 {
    %c0_i32 = arith.constant 0 : i32
    return %arg0 : i32
  }
  func.func @transform_3(%arg0: i32) -> (i32, i32) {
    %c0_i32 = arith.constant 0 : i32
    %c0_i32_0 = arith.constant 0 : i32
    %c0_i32_1 = arith.constant 0 : i32
    return %c0_i32, %c0_i32_0 : i32, i32
  }
  func.func @transform_4(%arg0: i32) -> i32 {
    %c0_i32 = arith.constant 0 : i32
    %c0_i32_0 = arith.constant 0 : i32
    return %c0_i32 : i32
  }
  func.func @transform_5(%arg0: i32) -> (i32, i32) {
    %c0_i32 = arith.constant 0 : i32
    %c0_i32_0 = arith.constant 0 : i32
    return %arg0, %c0_i32 : i32, i32
  }
}

</mosaic_0001>

<sc_bundles>
// kernel: kernel.11.cloned.1.call-start
scs
__scs_entry_jumppad:
0x0: {  	(pc) =	sbr.rel $0x88, $3  }
0x1: {  	(tag) =	ssettag $0x0;
	lr =	simm.s32 $0x1  }
0x2: {  	[smem:$0x3F99] =	sst lr;
	_ =	strace $0xD0000000  }
0x3: {  	_ = 	snop  }
0x4: {  	_ = 	snop  }
0x5: {  	_ = 	snop  }
0x6: {  	_ = 	snop  }
0x7: {  	_ = 	snop  }
__scs_overlays_trampoline_lowered:
0x8: {  	[smem:$0x3FA8] =	sst s0  }
0x9: {  	[smem:$0x3FA9] =	sst s1  }
0xa: {  	[smem:$0x3FAA] =	sst s2  }
0xb: {  	[smem:$0x3FAB] =	sst s3  }
0xc: {  	[smem:$0x3FAC] =	sst s4  }
0xd: {  	[smem:$0x3FAD] =	sst s5  }
0xe: {  	[smem:$0x3FAE] =	sst s6  }
0xf: {  	[smem:$0x3FAF] =	sst s7  }
0x10: {  	[smem:$0x3FB0] =	sst s8  }
0x11: {  	[smem:$0x3FB1] =	sst s9;
	s0 =	simm.s32 @!p0 $0x0  }
0x12: {  	s1 =	sld [smem:$0x3F97];
	s0 =	simm.s32 @p0 $0x1  }
0x13: {  	[smem:$0x3FB2] =	sst s0;
	s0 =	simm.s32 @!p1 $0x0  }
0x14: {  	s2 =	sld [smem:$0x3F96];
	s0 =	simm.s32 @p1 $0x1  }
0x15: {  	[smem:$0x3FB3] =	sst s0;
	s0 =	simm.s32 @!p2 $0x0  }
0x16: {  	s3 =	sld [smem:$0x3FDB];
	s0 =	simm.s32 @p2 $0x1  }
0x17: {  	s4 =	simm.s32 $0x1BF5;
	[smem:$0x3FB5] =	sst s0  }
0x18: {  	s0 =	sld [smem:$0x3F98];
	_ =	swait.ge [sflag:s4], $0x0  }
0x19: {  	s7 =	sld [smem:$0x3F99]  }
0x1a: {  	s8 =	sadd.s32 $0xFFFFE003, lr  }
0x1b: {  	s9 =	sadd.s32 $0xFFFFFEF7, lr;
	s5 =	simm.s32 $0xFFFFFFFF;
	p2 =	slt.u32 s8, $0xFFFFF086  }
0x1c: {  	p1 =	slt.u32 s9, $0xF7A;
	s5 =	simm.s32 @!p2 $0x0  }
0x1d: {  	s5 =	simm.s32 @p1 $0x1;
	p0 =	seq.s32 s7, s2  }
0x1e: {  	s7 =	smul.u32 @!p0 $0xF7A, s2;
	p2 =	seq.s32 @!p0 s5, $0x0  }
0x1f: {  	s9 =	smul.u32 $0xF7A, s1;
	s8 =	simm.s32 @!p0 $0x1BF5;
	p2 =	por !p2, p0  }
0x20: {  	[sflag:s8] =	ssyncset.s32 @!p0 $0xFFFFF086;
	s6 =	sadd.s32 @!p0 s3, s7;
	s7 =	simm.s32 @!p0 $0x108  }
0x21: {  	s3 =	sadd.s32 s3, s9;
	s6 =	sadd.s32 @!p0 $0x88, s6;
	s7 =	simm.s32 @p2 $0x1082  }
0x22: {  	[simem:s7], [sflag:s8] =	dma.local @!p0 [hbm:s6], $0xF7A  }
0x23: {  	s9 =	sor.u32 $0xD0000000, s2;
	s6 =	simm.s32 $0x108;
	_ =	swait.ge @!p0 [sflag:s8], $0x0  }
0x24: {  	s3 =	sadd.s32 $0x88, s3;
	s6 =	simm.s32 @!p1 $0x1082;
	[sflag:s4] =	ssyncset.s32 $0xFFFFF086  }
0x25: {  	[simem:s6], [sflag:s4] =	dma.local [hbm:s3], $0xF7A  }
0x26: {  	[smem:$0x3F99] =	sst s1;
	(tag) =	ssettag s2;
	_ =	strace s9  }
0x27: {  	s1 =	sld [smem:$0x3FA9]  }
0x28: {  	s2 =	sld [smem:$0x3FAA]  }
0x29: {  	s4 =	sld [smem:$0x3FAC]  }
0x2a: {  	p0 =	seq.s32 s5, $0x0;
	s5 =	sld [smem:$0x3FAD]  }
0x2b: {  	s6 =	sld [smem:$0x3FAE]  }
0x2c: {  	s7 =	sld [smem:$0x3FAF]  }
0x2d: {  	s3 =	simm.s32 $0x108;
	s8 =	sld [smem:$0x3FB0]  }
0x2e: {  	s3 =	simm.s32 @!p0 $0x1082;
	s9 =	sld [smem:$0x3FB1]  }
0x2f: {  	lr =	sadd.s32 s0, s3;
	s0 =	sld [smem:$0x3FA8]  }
0x30: {  	s3 =	sld [smem:$0x3FAB]  }
0x31: {  	[smem:$0x3FB4] =	sst s10  }
0x32: {  	s10 =	sld [smem:$0x3FB2];
	_ =	sdelay $0x3  }
0x33: {  	p0 =	seq.s32 s10, $0x1;
	s10 =	sld [smem:$0x3FB4];
	_ =	sdelay $0x3  }
0x34: {  	[smem:$0x3FB4] =	sst s10  }
0x35: {  	s10 =	sld [smem:$0x3FB3];
	_ =	sdelay $0x3  }
0x36: {  	p1 =	seq.s32 s10, $0x1;
	s10 =	sld [smem:$0x3FB4];
	_ =	sdelay $0x3  }
0x37: {  	[smem:$0x3FB4] =	sst s10  }
0x38: {  	s10 =	sld [smem:$0x3FB5]  }
0x39: {  	_ = 	snop;
	(pc) =	sbr.ind lr, $3  }
0x3a: {  	_ = 	snop  }
0x3b: {  	_ = 	snop  }
0x3c: {  	p2 =	seq.s32 s10, $0x1;
	s10 =	sld [smem:$0x3FB4]  }
0x3d: {  	_ =	shalt  }
0x3e: {  	_ =	shalt  }
0x3f: {  	_ =	shalt  }
0x40: {  	_ =	shalt  }
0x41: {  	_ =	shalt  }
0x42: {  	_ =	shalt  }
0x43: {  	_ =	shalt  }
0x44: {  	_ =	shalt  }
0x45: {  	_ =	shalt  }
0x46: {  	_ =	shalt  }
0x47: {  	_ =	shalt  }
0x48: {  	_ =	shalt  }
0x49: {  	_ =	shalt  }
0x4a: {  	_ =	shalt  }
0x4b: {  	_ =	shalt  }
0x4c: {  	_ =	shalt  }
0x4d: {  	_ =	shalt  }
0x4e: {  	_ =	shalt  }
0x4f: {  	_ =	shalt  }
0x50: {  	_ =	shalt  }
0x51: {  	_ =	shalt  }
0x52: {  	_ =	shalt  }
0x53: {  	_ =	shalt  }
0x54: {  	_ =	shalt  }
0x55: {  	_ =	shalt  }
0x56: {  	_ =	shalt  }
0x57: {  	_ =	shalt  }
0x58: {  	_ =	shalt  }
0x59: {  	_ =	shalt  }
0x5a: {  	_ =	shalt  }
0x5b: {  	_ =	shalt  }
0x5c: {  	_ =	shalt  }
0x5d: {  	_ =	shalt  }
0x5e: {  	_ =	shalt  }
0x5f: {  	_ =	shalt  }
0x60: {  	_ =	shalt  }
0x61: {  	_ =	shalt  }
0x62: {  	_ =	shalt  }
0x63: {  	_ =	shalt  }
0x64: {  	_ =	shalt  }
0x65: {  	_ =	shalt  }
0x66: {  	_ =	shalt  }
0x67: {  	_ =	shalt  }
0x68: {  	_ =	shalt  }
0x69: {  	_ =	shalt  }
0x6a: {  	_ =	shalt  }
0x6b: {  	_ =	shalt  }
0x6c: {  	_ =	shalt  }
0x6d: {  	_ =	shalt  }
0x6e: {  	_ =	shalt  }
0x6f: {  	_ =	shalt  }
0x70: {  	_ =	shalt  }
0x71: {  	_ =	shalt  }
0x72: {  	_ =	shalt  }
0x73: {  	_ =	shalt  }
0x74: {  	_ =	shalt  }
0x75: {  	_ =	shalt  }
0x76: {  	_ =	shalt  }
0x77: {  	_ =	shalt  }
0x78: {  	_ =	shalt  }
0x79: {  	_ =	shalt  }
0x7a: {  	_ =	shalt  }
0x7b: {  	_ =	shalt  }
0x7c: {  	_ =	shalt  }
0x7d: {  	_ =	shalt  }
0x7e: {  	_ =	shalt  }
0x7f: {  	_ =	shalt  }
0x80: {  	_ =	shalt  }
0x81: {  	_ =	shalt  }
0x82: {  	_ =	shalt  }
0x83: {  	_ =	shalt  }
0x84: {  	_ =	shalt  }
0x85: {  	_ =	shalt  }
0x86: {  	_ =	shalt  }
0x87: {  	_ =	shalt  }
.Lfunc_end0:
.L_simem_size_0:
called_computation.1_lowered:
.L_overlay_start_0:
0x88: {  	s2 =	sld [smem:$0x3FD9]  }
0x89: {  	s3 =	sld [smem:$0x3FFE];
	_ =	sdelay $0x1  }
0x8a: {  	s1 =	srdreg.scid  }
0x8b: {  	s0 =	sand.u32 $0x1, s1  }
0x8c: {  	s14 =	sshll.u32 s0, $0xA;
	s2 =	sadd.s32 s3, s2  }
0x8d: {  	s2 =	sadd.s32 s2, s14  }
0x8e: {  	[smem:$0x3FC0] =	sst s2  }
0x8f: {  	_ = 	snop  }
0x90: {  	s2 =	sld [smem:$0x3FD0];
	_ =	sdelay $0x2  }
0x91: {  	s15 =	simm.s32 $0xA;
	s4 =	simm.s32 $0x10  }
0x92: {  	[smem:s4], [sflag:s15] =	dma.local [hbm:s2], $0x1  }
0x93: {  	_ =	swait.eq [sflag:s15], $0x1  }
0x94: {  	[sflag:s15] =	ssyncset.done $0x0  }
0x95: {  	[sflag:s15] =	ssyncadd.s32 $0xFFFFFFFF  }
0x96: {  	s16 =	sld [smem:$0x10];
	(tm) =	ssettm $0x1  }
0x97: {  	s17 =	sld [smem:$0x3FFB];
	_ =	sdelay $0x3  }
0x98: {  	_ =	strace s17  }
0x99: {  	s3 =	sld [smem:$0x3FFC];
	_ =	sdelay $0x3  }
0x9a: {  	_ =	strace s3  }
0x9b: {  	s3 =	sld [smem:$0x3FFD];
	_ =	sdelay $0x3  }
0x9c: {  	_ =	strace s3  }
0x9d: {  	_ =	strace $0x8FFFFFFF  }
0x9e: {  	s18 =	sld [smem:$0x3FDB];
	_ =	sdelay $0x1  }
0x9f: {  	s19 =	simm.s32 $_scs_section_size  }
0xa0: {  	s5 =	simm.s32 $_size__tile_overlayer_lowered;
	s6 =	simm.s32 $_tile_overlayer_lowered  }
0xa1: {  	s22 =	simm.s32 $0x1BFF;
	s21 =	sshll.u32 s6, $0x1;
	s3 =	sadd.s32 s19, s18  }
0xa2: {  	s7 =	simm.s32 $0x0;
	s20 =	sshll.u32 s5, $0x1;
	s5 =	sadd.s32 s21, s3  }
0xa3: {  	[timem:s7], [sflag:s22] =	dma.local [hbm:s5], s20  }
0xa4: {  	_ =	swait.ge [sflag:s22], s20  }
0xa5: {  	s4 =	ssub.s32 $0x0, s20;
	[sflag:s22] =	ssyncset.done $0x0  }
0xa6: {  	[sflag:s22] =	ssyncadd.s32 s4;
	_ =	sdelay $0x1  }
0xa7: {  	s23 =	simm.s32 $0x1B8B  }
0xa8: {  	_ =	swait.ge [sflag:s23], $0x1  }
0xa9: {  	[sflag:s23] =	ssyncset.done $0x0  }
0xaa: {  	s25 =	simm.s32 $0x1B8E;
	s24 =	sld [smem:$0x3FFE];
	[sflag:s23] =	ssyncadd.s32 $0xFFFFFFFF  }
0xab: {  	s26 =	simm.s32 $execute0_lowered;
	[smem:$0x3FD2] =	sst s25  }
0xac: {  	s5 =	sshll.u32 s26, $0x1;
	_ =	strace $0x80000049;
	[dreg:$0x1] =	wrdreg $0xFFFFFFFF  }
0xad: {  	s28 =	simm.s32 $_size_execute0_lowered;
	s3 =	sadd.s32 s3, s5;
	[dreg:$0x0] =	wrdreg $0x0  }
0xae: {  	s5 =	sshll.u32 s28, $0x1;
	[dreg:$0x2] =	wrdreg s3  }
0xaf: {  	[dreg:$0x3] =	wrdreg s5  }
0xb0: {  	[dreg:$0x4] =	wrdreg $0xC0  }
0xb1: {  	_ =	task [dreg:s7], $0x5FFFF  }
0xb2: {  	[dreg:$0x1] =	wrdreg $0xFFFFFFFF  }
0xb3: {  	[dreg:$0x0] =	wrdreg $0x60  }
0xb4: {  	[dreg:$0x2] =	wrdreg s24  }
0xb5: {  	[dreg:$0x3] =	wrdreg s16  }
0xb6: {  	[dreg:$0x4] =	wrdreg $0x9F000  }
0xb7: {  	[dreg:$0x5] =	wrdreg $0x9  }
0xb8: {  	_ =	task.clear_ibuf [dreg:s7], $0x6FFFF;
	_ =	strace $0x90000049  }
0xb9: {  	s29 =	simm.s32 $0x9;
	_ =	strace $0x8000004B  }
0xba: {  	_ =	swait.ge [sflag:s29], $0x1  }
0xbb: {  	[sflag:s29] =	ssyncadd.s32 $0xFFFFFFFF  }
0xbc: {  	_ =	strace $0x9000004B  }
0xbd: {  	_ =	sfence  }
0xbe: {  	s30 =	sld [smem:$0x0];
	_ =	sdelay $0x2  }
0xbf: {  	s31 =	sshll.u32 s1, $0xD;
	s1 =	sshrl.u32 s1, $0x2  }
0xc0: {  	s3 =	sand.u32 $0x4000, s31;
	s1 =	sadd.s32 s1, s30  }
0xc1: {  	s0 =	sor.u32 s3, s0;
	s1 =	sshll.u32 s1, $0x11  }
0xc2: {  	s0 =	sor.u32 s1, s0  }
0xc3: {  	s0 =	sadd.s32 $0x8F2B, s0  }
0xc4: {  	[sflag:s0] =	ssyncadd.remote.s32 $0x1  }
0xc5: {  	_ =	sfence.sel $0xFFFF  }
0xc6: {  	[dreg:$0x0] =	wrdreg $0xFFFFFFFF;
	(pc) =	sbr.abs _section_cstart, $3  }
0xc7: {  	[dreg:$0x1] =	wrdreg $0xFFFFFFFF  }
0xc8: {  	_ =	task.clear_ibuf [dreg:s7], $0x2FFFF;
	_ =	strace $0x9FFFFFFF  }
0xc9: {  	(tm) =	ssettm $0x7FFFFFFF  }
tec
execute0_lowered:
.L_overlay_start_1:
0x0: {  	(tag) =	ssettag $0x1  }
0x1: {  	s5 =	rddreg [dreg:$0x0]  }
0x2: {  	s1 =	srdreg.scid;
	s7 =	rddreg [dreg:$0x1]  }
0x3: {  	s0 =	stileid.u32;
	s2 =	rddreg [dreg:$0x2]  }
0x4: {  	s3 =	simm.s32 $0x0;
	s15 =	simm.s32 $0x4F00;
	s16 =	simm.s32 $0x7700  }
0x5: {  	s17 =	simm.s32 $0x1;
	s18 =	simm.s32 $0x3;
	s19 =	simm.s32 $0x2  }
0x6: {  	s20 =	simm.s32 $0x4;
	s21 =	simm.s32 $0x4DA0;
	s22 =	simm.s32 $0x26C0  }
0x7: {  	s23 =	simm.s32 $0x4DF0;
	s24 =	simm.s32 $0x4E40;
	s25 =	simm.s32 $0x0  }
0x8: {  	s6 =	sand.u32 $0x1, s1;
	s28 =	sshll.u32 s0, $0x1;
	s9 =	smul.u32 $0x14000, s0  }
0x9: {  	[smem:$0x7FF] =	sst s3;
	s4 =	sadd.s32 $0xC600, s5;
	s29 =	smul.u32 $0x50000, s0  }
0xa: {  	s31 =	sshll.u32 s0, $0x6;
	s1 =	sor.u32 s6, s28;
	s10 =	smul.u32 $0x140000, s6  }
0xb: {  	s6 =	ssub.s32 $0x2, s6;
	s8 =	smul.u32 $0x4E2, s1;
	s1 =	rddreg [dreg:$0x3]  }
0xc: {  	_ =	strace $0x8000004A;
	s12 =	sshrl.u32 s9, $0x3;
	s30 =	sshrl.u32 s6, $0x1  }
0xd: {  	s9 =	sadd.s32 s9, s10;
	s12 =	sadd.s32 s12, s5;
	s10 =	sshrl.u32 s29, $0x2  }
0xe: {  	s13 =	ssub.s32 s6, s30;
	s6 =	sor.u32 $0x1C05, s31;
	s11 =	sadd.s32 s8, s5  }
0xf: {  	s9 =	sshrl.u32 s9, $0x3;
	s14 =	sadd.s32 s10, s2;
	s7 =	sadd.s32 s7, s8  }
0x10: {  	s10 =	smax.u32 s13, $0x1;
	s13 =	simm.s32 $0x2780;
	s9 =	sadd.s32 s9, s5  }
0x11: {  	s5 =	sadd.s32 $0x34600, s12;
	s8 =	sadd.s32 $0x2800, s11;
	s11 =	sshrl.u32 s14, $0x3  }
0x12: {  	s12 =	simm.s32 $0x5;
	s14 =	simm.s32 $0x50;
	s9 =	sadd.s32 $0x5C600, s9  }
.LBB2_1:
0x13: {  	[spmem:s11], [sflag:s6] =	dma.local [hbm:s5], $0x2800  }
0x14: {  	_ =	swait.ge [sflag:s12], $0x2800  }
0x15: {  	[sflag:s12] =	ssyncset.done $0x0  }
0x16: {  	[sflag:s12] =	ssyncadd.s32 $0xFFFFD800  }
0x17: {  	[tilespmem:s3], [sflag:$0x5] =	stream.linear.gather [hbm4b:s7+s3], $0x2710, $0x38;
	[tilespmem:$0x1DF00] =	vst v63  }
0x18: {  	_ =	swait.ge [sflag:s12], $0x2710  }
0x19: {  	[sflag:s12] =	ssyncset.done $0x0  }
0x1a: {  	[sflag:s12] =	ssyncadd.s32 $0xFFFFD8F0  }
0x1b: {  	[tilespmem:s13], [sflag:$0x5] =	stream.linear.gather [hbm4b:s8+s3], $0x2710, $0x38;
	[tilespmem:$0x1DF00] =	vst v63  }
0x1c: {  	_ =	swait.ge [sflag:s12], $0x2710  }
0x1d: {  	[sflag:s12] =	ssyncset.done $0x0  }
0x1e: {  	[sflag:s12] =	ssyncadd.s32 $0xFFFFD8F0  }
0x1f: {  	[bflag:$0x0] =	sbarrier.arrive $0xFFFF  }
0x20: {  	[tilespmem:s15], [sflag:$0x1] =	stream.indirect.gather [hbm4b:s4+s14], $0x80, s3, s14, $0xb8;
	[tilespmem:$0x1DF00] =	vst v63  }
0x21: {  	_ = 	snop  }
0x22: {  	[tilespmem:s16], [sflag:$0x2] =	stream.indirect.gather [hbm4b:s4+s14], $0x80, s14, s14, $0xb8;
	[tilespmem:$0x1DF00] =	vst v63  }
0x23: {  	_ =	swait.ge [sflag:s17], $0x2800  }
0x24: {  	[sflag:s17] =	ssyncset.done $0x0  }
0x25: {  	s26 =	simm.s32 $0x2780;
	[sflag:s17] =	ssyncadd.s32 $0xFFFFD800  }
0x26: {  	[spmem:s2] =	stream.indirect.scatter.add.f32 [tilespmem:s15], [sflag:$0x3], $0x80, s26, s14, $0xb8;
	[tilespmem:$0x1DF00] =	vst v63  }
0x27: {  	_ =	swait.ge [sflag:s18], $0x2800  }
0x28: {  	[sflag:s18] =	ssyncset.done $0x0  }
0x29: {  	s30 =	simm.s32 $0xA0;
	[sflag:s18] =	ssyncadd.s32 $0xFFFFD800  }
0x2a: {  	[tilespmem:s15], [sflag:$0x1] =	stream.indirect.gather [hbm4b:s4+s14], $0x80, s30, s14, $0xb8;
	[tilespmem:$0x1DF00] =	vst v63  }
0x2b: {  	_ =	swait.ge [sflag:s19], $0x2800  }
0x2c: {  	[sflag:s19] =	ssyncset.done $0x0  }
0x2d: {  	s31 =	simm.s32 $0x27D0;
	[sflag:s19] =	ssyncadd.s32 $0xFFFFD800  }
0x2e: {  	[spmem:s2] =	stream.indirect.scatter.add.f32 [tilespmem:s16], [sflag:$0x4], $0x80, s31, s14, $0xb8;
	[tilespmem:$0x1DF00] =	vst v63  }
0x2f: {  	_ =	swait.ge [sflag:s20], $0x2800  }
0x30: {  	[sflag:s20] =	ssyncset.done $0x0  }
0x31: {  	s28 =	simm.s32 $0xF0;
	s26 =	simm.s32 $0x280;
	[sflag:s20] =	ssyncadd.s32 $0xFFFFD800  }
.LBB2_2:
0x32: {  	[tilespmem:s16], [sflag:$0x2] =	stream.indirect.gather [hbm4b:s4+s14], $0x80, s28, s14, $0xb8;
	[tilespmem:$0x1DF00] =	vst v63  }
0x33: {  	s28 =	smov.u32 s26  }
0x34: {  	p0 =	sne.s32 s26, $0x9600;
	s26 =	sadd.s32 $0x280, s26;
	_ =	swait.ge [sflag:s17], $0x2800  }
0x35: {  	s28 =	sshra.s32 s28, $0x2;
	[sflag:s17] =	ssyncset.done $0x0  }
0x36: {  	s29 =	sadd.s32 $0x2780, s28;
	[sflag:s17] =	ssyncadd.s32 $0xFFFFD800  }
0x37: {  	[spmem:s2] =	stream.indirect.scatter.add.f32 [tilespmem:s15], [sflag:$0x3], $0x80, s29, s14, $0xb8;
	[tilespmem:$0x1DF00] =	vst v63  }
0x38: {  	_ =	swait.ge [sflag:s18], $0x2800  }
0x39: {  	[sflag:s18] =	ssyncset.done $0x0  }
0x3a: {  	s29 =	sadd.s32 $0xA0, s28;
	[sflag:s18] =	ssyncadd.s32 $0xFFFFD800  }
0x3b: {  	[tilespmem:s15], [sflag:$0x1] =	stream.indirect.gather [hbm4b:s4+s14], $0x80, s29, s14, $0xb8;
	[tilespmem:$0x1DF00] =	vst v63  }
0x3c: {  	_ =	swait.ge [sflag:s19], $0x2800  }
0x3d: {  	[sflag:s19] =	ssyncset.done $0x0  }
.Ltmp0:
0x3e: {  	s29 =	sadd.s32 $0x27D0, s28;
	[sflag:s19] =	ssyncadd.s32 $0xFFFFD800;
	(pc) =	sbr.rel @p0 .LBB2_2-.Ltmp0, $4  }
0x3f: {  	[spmem:s2] =	stream.indirect.scatter.add.f32 [tilespmem:s16], [sflag:$0x4], $0x80, s29, s14, $0xb8;
	[tilespmem:$0x1DF00] =	vst v63  }
0x40: {  	_ =	swait.ge [sflag:s20], $0x2800  }
0x41: {  	[sflag:s20] =	ssyncset.done $0x0  }
0x42: {  	s28 =	sadd.s32 $0xF0, s28;
	[sflag:s20] =	ssyncadd.s32 $0xFFFFD800  }
0x43: {  	[tilespmem:s16], [sflag:$0x2] =	stream.indirect.gather [hbm4b:s4+s14], $0x80, s28, s14, $0xb8;
	[tilespmem:$0x1DF00] =	vst v63  }
0x44: {  	_ =	swait.ge [sflag:s17], $0x2800  }
0x45: {  	[sflag:s17] =	ssyncset.done $0x0  }
0x46: {  	[sflag:s17] =	ssyncadd.s32 $0xFFFFD800  }
0x47: {  	[spmem:s2] =	stream.indirect.scatter.add.f32 [tilespmem:s15], [sflag:$0x3], $0x80, s21, s14, $0xb8;
	[tilespmem:$0x1DF00] =	vst v63  }
0x48: {  	_ =	swait.ge [sflag:s18], $0x2800  }
0x49: {  	[sflag:s18] =	ssyncset.done $0x0  }
0x4a: {  	[sflag:s18] =	ssyncadd.s32 $0xFFFFD800  }
0x4b: {  	[tilespmem:s15], [sflag:$0x1] =	stream.indirect.gather [hbm4b:s4+s14], $0x80, s22, s14, $0xb8;
	[tilespmem:$0x1DF00] =	vst v63  }
0x4c: {  	_ =	swait.ge [sflag:s19], $0x2800  }
0x4d: {  	[sflag:s19] =	ssyncset.done $0x0  }
0x4e: {  	[sflag:s19] =	ssyncadd.s32 $0xFFFFD800  }
0x4f: {  	[spmem:s2] =	stream.indirect.scatter.add.f32 [tilespmem:s16], [sflag:$0x4], $0x80, s23, s14, $0xb8;
	[tilespmem:$0x1DF00] =	vst v63  }
0x50: {  	_ =	swait.ge [sflag:s20], $0x2800  }
0x51: {  	[sflag:s20] =	ssyncset.done $0x0  }
0x52: {  	[sflag:s20] =	ssyncadd.s32 $0xFFFFD800  }
0x53: {  	_ =	swait.ge [sflag:s17], $0x2800  }
0x54: {  	[sflag:s17] =	ssyncset.done $0x0  }
0x55: {  	[sflag:s17] =	ssyncadd.s32 $0xFFFFD800  }
0x56: {  	[spmem:s2] =	stream.indirect.scatter.add.f32 [tilespmem:s15], [sflag:$0x3], $0x80, s24, s14, $0xb8;
	[tilespmem:$0x1DF00] =	vst v63  }
0x57: {  	_ =	swait.ge [sflag:s18], $0x2800  }
0x58: {  	s25 =	sadd.s32 $0x1, s25;
	[sflag:s18] =	ssyncset.done $0x0  }
0x59: {  	p0 =	sne.s32 s25, s10;
	[sflag:s18] =	ssyncadd.s32 $0xFFFFD800  }
.Ltmp1:
0x5a: {  	[bflag:$0x0] =	sbarrier.arrive $0xFFFF;
	(pc) =	sbr.rel @p0 .LBB2_1-.Ltmp1, $4  }
0x5b: {  	[hbm:s9], [sflag:s6] =	dma.local [spmem:s11], $0x2800  }
0x5c: {  	_ =	swait.ge [sflag:s12], $0x2800  }
0x5d: {  	[sflag:s12] =	ssyncset.done $0x0  }
0x5e: {  	[sflag:s12] =	ssyncadd.s32 $0xFFFFD800  }
0x5f: {  	_ =	sfence.sel $0x180000  }
0x60: {  	[bflag:$0x0] =	sbarrier.arrive $0xFFFF  }
0x61: {  	p0 =	sne.s32 s0, $0x0;
	_ =	strace $0x9000004A  }
0x62: {  	s0 =	sadd.s32 @!p0 $0x100000, s1;
	[bflag:$0x2] =	sbarrier.arrive $0xFFFF  }
0x63: {  	[sflag:s0] =	ssyncadd.tile.s32 @!p0 $0x1;
	_ =	shalt  }
.Lfunc_end2:
_tile_overlayer_lowered:
.L_overlay_start_2:
0x64: {  	(tag) =	ssettag $0x2  }
0x65: {  	s0 =	rddreg [dreg:$0x0];
	s2 =	stileid.u32  }
0x66: {  	s1 =	rddreg [dreg:$0x1];
	p0 =	sne.s32 s2, $0x0  }
0x67: {  	s3 =	rddreg [dreg:$0x2];
	[bflag:$0x3] =	sbarrier.arrive $0xFFFF;
	s2 =	simm.s32 @!p0 $0x1C05  }
0x68: {  	[timem:s3], [sflag:s2] =	dma.local @!p0 [hbm:s0], s1  }
0x69: {  	s0 =	simm.s32 @!p0 $0x5  }
0x6a: {  	_ =	swait.ge @!p0 [sflag:s0], s1  }
0x6b: {  	s1 =	ssub.s32 @!p0 $0x0, s1;
	[sflag:s0] =	ssyncset.done @!p0 $0x0  }
0x6c: {  	[sflag:s0] =	ssyncadd.s32 @!p0 s1  }
0x6d: {  	[bflag:$0x3] =	sbarrier.arrive $0xFFFF  }
0x6e: {  	_ =	shalt  }

// kernel: kernel.14.cloned.1.call-start
scs
__scs_entry_jumppad:
0x0: {  	(pc) =	sbr.rel $0x88, $3  }
0x1: {  	(tag) =	ssettag $0x0;
	lr =	simm.s32 $0x1  }
0x2: {  	[smem:$0x3F99] =	sst lr;
	_ =	strace $0xD0000000  }
0x3: {  	_ = 	snop  }
0x4: {  	_ = 	snop  }
0x5: {  	_ = 	snop  }
0x6: {  	_ = 	snop  }
0x7: {  	_ = 	snop  }
__scs_overlays_trampoline_lowered:
0x8: {  	[smem:$0x3FA8] =	sst s0  }
0x9: {  	[smem:$0x3FA9] =	sst s1  }
0xa: {  	[smem:$0x3FAA] =	sst s2  }
0xb: {  	[smem:$0x3FAB] =	sst s3  }
0xc: {  	[smem:$0x3FAC] =	sst s4  }
0xd: {  	[smem:$0x3FAD] =	sst s5  }
0xe: {  	[smem:$0x3FAE] =	sst s6  }
0xf: {  	[smem:$0x3FAF] =	sst s7  }
0x10: {  	[smem:$0x3FB0] =	sst s8  }
0x11: {  	[smem:$0x3FB1] =	sst s9;
	s0 =	simm.s32 @!p0 $0x0  }
0x12: {  	s1 =	sld [smem:$0x3F97];
	s0 =	simm.s32 @p0 $0x1  }
0x13: {  	[smem:$0x3FB2] =	sst s0;
	s0 =	simm.s32 @!p1 $0x0  }
0x14: {  	s2 =	sld [smem:$0x3F96];
	s0 =	simm.s32 @p1 $0x1  }
0x15: {  	[smem:$0x3FB3] =	sst s0;
	s0 =	simm.s32 @!p2 $0x0  }
0x16: {  	s3 =	sld [smem:$0x3FDB];
	s0 =	simm.s32 @p2 $0x1  }
0x17: {  	s4 =	simm.s32 $0x1BF5;
	[smem:$0x3FB5] =	sst s0  }
0x18: {  	s0 =	sld [smem:$0x3F98];
	_ =	swait.ge [sflag:s4], $0x0  }
0x19: {  	s7 =	sld [smem:$0x3F99]  }
0x1a: {  	s8 =	sadd.s32 $0xFFFFE003, lr  }
0x1b: {  	s9 =	sadd.s32 $0xFFFFFEF7, lr;
	s5 =	simm.s32 $0xFFFFFFFF;
	p2 =	slt.u32 s8, $0xFFFFF086  }
0x1c: {  	p1 =	slt.u32 s9, $0xF7A;
	s5 =	simm.s32 @!p2 $0x0  }
0x1d: {  	s5 =	simm.s32 @p1 $0x1;
	p0 =	seq.s32 s7, s2  }
0x1e: {  	s7 =	smul.u32 @!p0 $0xF7A, s2;
	p2 =	seq.s32 @!p0 s5, $0x0  }
0x1f: {  	s9 =	smul.u32 $0xF7A, s1;
	s8 =	simm.s32 @!p0 $0x1BF5;
	p2 =	por !p2, p0  }
0x20: {  	[sflag:s8] =	ssyncset.s32 @!p0 $0xFFFFF086;
	s6 =	sadd.s32 @!p0 s3, s7;
	s7 =	simm.s32 @!p0 $0x108  }
0x21: {  	s3 =	sadd.s32 s3, s9;
	s6 =	sadd.s32 @!p0 $0x88, s6;
	s7 =	simm.s32 @p2 $0x1082  }
0x22: {  	[simem:s7], [sflag:s8] =	dma.local @!p0 [hbm:s6], $0xF7A  }
0x23: {  	s9 =	sor.u32 $0xD0000000, s2;
	s6 =	simm.s32 $0x108;
	_ =	swait.ge @!p0 [sflag:s8], $0x0  }
0x24: {  	s3 =	sadd.s32 $0x88, s3;
	s6 =	simm.s32 @!p1 $0x1082;
	[sflag:s4] =	ssyncset.s32 $0xFFFFF086  }
0x25: {  	[simem:s6], [sflag:s4] =	dma.local [hbm:s3], $0xF7A  }
0x26: {  	[smem:$0x3F99] =	sst s1;
	(tag) =	ssettag s2;
	_ =	strace s9  }
0x27: {  	s1 =	sld [smem:$0x3FA9]  }
0x28: {  	s2 =	sld [smem:$0x3FAA]  }
0x29: {  	s4 =	sld [smem:$0x3FAC]  }
0x2a: {  	p0 =	seq.s32 s5, $0x0;
	s5 =	sld [smem:$0x3FAD]  }
0x2b: {  	s6 =	sld [smem:$0x3FAE]  }
0x2c: {  	s7 =	sld [smem:$0x3FAF]  }
0x2d: {  	s3 =	simm.s32 $0x108;
	s8 =	sld [smem:$0x3FB0]  }
0x2e: {  	s3 =	simm.s32 @!p0 $0x1082;
	s9 =	sld [smem:$0x3FB1]  }
0x2f: {  	lr =	sadd.s32 s0, s3;
	s0 =	sld [smem:$0x3FA8]  }
0x30: {  	s3 =	sld [smem:$0x3FAB]  }
0x31: {  	[smem:$0x3FB4] =	sst s10  }
0x32: {  	s10 =	sld [smem:$0x3FB2];
	_ =	sdelay $0x3  }
0x33: {  	p0 =	seq.s32 s10, $0x1;
	s10 =	sld [smem:$0x3FB4];
	_ =	sdelay $0x3  }
0x34: {  	[smem:$0x3FB4] =	sst s10  }
0x35: {  	s10 =	sld [smem:$0x3FB3];
	_ =	sdelay $0x3  }
0x36: {  	p1 =	seq.s32 s10, $0x1;
	s10 =	sld [smem:$0x3FB4];
	_ =	sdelay $0x3  }
0x37: {  	[smem:$0x3FB4] =	sst s10  }
0x38: {  	s10 =	sld [smem:$0x3FB5]  }
0x39: {  	_ = 	snop;
	(pc) =	sbr.ind lr, $3  }
0x3a: {  	_ = 	snop  }
0x3b: {  	_ = 	snop  }
0x3c: {  	p2 =	seq.s32 s10, $0x1;
	s10 =	sld [smem:$0x3FB4]  }
0x3d: {  	_ =	shalt  }
0x3e: {  	_ =	shalt  }
0x3f: {  	_ =	shalt  }
0x40: {  	_ =	shalt  }
0x41: {  	_ =	shalt  }
0x42: {  	_ =	shalt  }
0x43: {  	_ =	shalt  }
0x44: {  	_ =	shalt  }
0x45: {  	_ =	shalt  }
0x46: {  	_ =	shalt  }
0x47: {  	_ =	shalt  }
0x48: {  	_ =	shalt  }
0x49: {  	_ =	shalt  }
0x4a: {  	_ =	shalt  }
0x4b: {  	_ =	shalt  }
0x4c: {  	_ =	shalt  }
0x4d: {  	_ =	shalt  }
0x4e: {  	_ =	shalt  }
0x4f: {  	_ =	shalt  }
0x50: {  	_ =	shalt  }
0x51: {  	_ =	shalt  }
0x52: {  	_ =	shalt  }
0x53: {  	_ =	shalt  }
0x54: {  	_ =	shalt  }
0x55: {  	_ =	shalt  }
0x56: {  	_ =	shalt  }
0x57: {  	_ =	shalt  }
0x58: {  	_ =	shalt  }
0x59: {  	_ =	shalt  }
0x5a: {  	_ =	shalt  }
0x5b: {  	_ =	shalt  }
0x5c: {  	_ =	shalt  }
0x5d: {  	_ =	shalt  }
0x5e: {  	_ =	shalt  }
0x5f: {  	_ =	shalt  }
0x60: {  	_ =	shalt  }
0x61: {  	_ =	shalt  }
0x62: {  	_ =	shalt  }
0x63: {  	_ =	shalt  }
0x64: {  	_ =	shalt  }
0x65: {  	_ =	shalt  }
0x66: {  	_ =	shalt  }
0x67: {  	_ =	shalt  }
0x68: {  	_ =	shalt  }
0x69: {  	_ =	shalt  }
0x6a: {  	_ =	shalt  }
0x6b: {  	_ =	shalt  }
0x6c: {  	_ =	shalt  }
0x6d: {  	_ =	shalt  }
0x6e: {  	_ =	shalt  }
0x6f: {  	_ =	shalt  }
0x70: {  	_ =	shalt  }
0x71: {  	_ =	shalt  }
0x72: {  	_ =	shalt  }
0x73: {  	_ =	shalt  }
0x74: {  	_ =	shalt  }
0x75: {  	_ =	shalt  }
0x76: {  	_ =	shalt  }
0x77: {  	_ =	shalt  }
0x78: {  	_ =	shalt  }
0x79: {  	_ =	shalt  }
0x7a: {  	_ =	shalt  }
0x7b: {  	_ =	shalt  }
0x7c: {  	_ =	shalt  }
0x7d: {  	_ =	shalt  }
0x7e: {  	_ =	shalt  }
0x7f: {  	_ =	shalt  }
0x80: {  	_ =	shalt  }
0x81: {  	_ =	shalt  }
0x82: {  	_ =	shalt  }
0x83: {  	_ =	shalt  }
0x84: {  	_ =	shalt  }
0x85: {  	_ =	shalt  }
0x86: {  	_ =	shalt  }
0x87: {  	_ =	shalt  }
.Lfunc_end0:
.L_simem_size_0:
called_computation.2_lowered:
.L_overlay_start_0:
0x88: {  	s2 =	sld [smem:$0x3FD9]  }
0x89: {  	s3 =	sld [smem:$0x3FFE];
	_ =	sdelay $0x1  }
0x8a: {  	s1 =	srdreg.scid  }
0x8b: {  	s0 =	sand.u32 $0x1, s1  }
0x8c: {  	s14 =	sshll.u32 s0, $0xA;
	s2 =	sadd.s32 s3, s2  }
0x8d: {  	s2 =	sadd.s32 s2, s14  }
0x8e: {  	[smem:$0x3FC0] =	sst s2  }
0x8f: {  	_ = 	snop  }
0x90: {  	s2 =	sld [smem:$0x3FD0];
	_ =	sdelay $0x2  }
0x91: {  	s15 =	simm.s32 $0xA;
	s4 =	simm.s32 $0x10  }
0x92: {  	[smem:s4], [sflag:s15] =	dma.local [hbm:s2], $0x1  }
0x93: {  	_ =	swait.eq [sflag:s15], $0x1  }
0x94: {  	[sflag:s15] =	ssyncset.done $0x0  }
0x95: {  	[sflag:s15] =	ssyncadd.s32 $0xFFFFFFFF  }
0x96: {  	s16 =	sld [smem:$0x10];
	(tm) =	ssettm $0x1  }
0x97: {  	s17 =	sld [smem:$0x3FFB];
	_ =	sdelay $0x3  }
0x98: {  	_ =	strace s17  }
0x99: {  	s3 =	sld [smem:$0x3FFC];
	_ =	sdelay $0x3  }
0x9a: {  	_ =	strace s3  }
0x9b: {  	s3 =	sld [smem:$0x3FFD];
	_ =	sdelay $0x3  }
0x9c: {  	_ =	strace s3  }
0x9d: {  	_ =	strace $0x8FFFFFFF  }
0x9e: {  	s18 =	sld [smem:$0x3FDB];
	_ =	sdelay $0x1  }
0x9f: {  	s19 =	simm.s32 $_scs_section_size  }
0xa0: {  	s5 =	simm.s32 $_size__tile_overlayer_lowered;
	s6 =	simm.s32 $_tile_overlayer_lowered  }
0xa1: {  	s22 =	simm.s32 $0x1BFF;
	s21 =	sshll.u32 s6, $0x1;
	s3 =	sadd.s32 s19, s18  }
0xa2: {  	s7 =	simm.s32 $0x0;
	s20 =	sshll.u32 s5, $0x1;
	s5 =	sadd.s32 s21, s3  }
0xa3: {  	[timem:s7], [sflag:s22] =	dma.local [hbm:s5], s20  }
0xa4: {  	_ =	swait.ge [sflag:s22], s20  }
0xa5: {  	s4 =	ssub.s32 $0x0, s20;
	[sflag:s22] =	ssyncset.done $0x0  }
0xa6: {  	[sflag:s22] =	ssyncadd.s32 s4;
	_ =	sdelay $0x1  }
0xa7: {  	s23 =	simm.s32 $0x1B8B  }
0xa8: {  	_ =	swait.ge [sflag:s23], $0x1  }
0xa9: {  	[sflag:s23] =	ssyncset.done $0x0  }
0xaa: {  	s25 =	simm.s32 $0x1B8E;
	s24 =	sld [smem:$0x3FFE];
	[sflag:s23] =	ssyncadd.s32 $0xFFFFFFFF  }
0xab: {  	s26 =	simm.s32 $execute0_lowered;
	[smem:$0x3FD2] =	sst s25  }
0xac: {  	s5 =	sshll.u32 s26, $0x1;
	_ =	strace $0x8000004C;
	[dreg:$0x1] =	wrdreg $0xFFFFFFFF  }
0xad: {  	s28 =	simm.s32 $_size_execute0_lowered;
	s3 =	sadd.s32 s3, s5;
	[dreg:$0x0] =	wrdreg $0x0  }
0xae: {  	s5 =	sshll.u32 s28, $0x1;
	[dreg:$0x2] =	wrdreg s3  }
0xaf: {  	[dreg:$0x3] =	wrdreg s5  }
0xb0: {  	[dreg:$0x4] =	wrdreg $0xC0  }
0xb1: {  	_ =	task [dreg:s7], $0x5FFFF  }
0xb2: {  	[dreg:$0x1] =	wrdreg $0xFFFFFFFF  }
0xb3: {  	[dreg:$0x0] =	wrdreg $0x60  }
0xb4: {  	[dreg:$0x2] =	wrdreg s24  }
0xb5: {  	[dreg:$0x3] =	wrdreg s16  }
0xb6: {  	[dreg:$0x4] =	wrdreg $0x9F000  }
0xb7: {  	[dreg:$0x5] =	wrdreg $0x9  }
0xb8: {  	_ =	task.clear_ibuf [dreg:s7], $0x6FFFF;
	_ =	strace $0x9000004C  }
0xb9: {  	s29 =	simm.s32 $0x9;
	_ =	strace $0x8000004E  }
0xba: {  	_ =	swait.ge [sflag:s29], $0x1  }
0xbb: {  	[sflag:s29] =	ssyncadd.s32 $0xFFFFFFFF  }
0xbc: {  	_ =	strace $0x9000004E  }
0xbd: {  	_ =	sfence  }
0xbe: {  	s30 =	sld [smem:$0x0];
	_ =	sdelay $0x2  }
0xbf: {  	s31 =	sshll.u32 s1, $0xD;
	s1 =	sshrl.u32 s1, $0x2  }
0xc0: {  	s3 =	sand.u32 $0x4000, s31;
	s1 =	sadd.s32 s1, s30  }
0xc1: {  	s0 =	sor.u32 s3, s0;
	s1 =	sshll.u32 s1, $0x11  }
0xc2: {  	s0 =	sor.u32 s1, s0  }
0xc3: {  	s0 =	sadd.s32 $0x8F2B, s0  }
0xc4: {  	[sflag:s0] =	ssyncadd.remote.s32 $0x1  }
0xc5: {  	_ =	sfence.sel $0xFFFF  }
0xc6: {  	[dreg:$0x0] =	wrdreg $0xFFFFFFFF;
	(pc) =	sbr.abs _section_cstart, $3  }
0xc7: {  	[dreg:$0x1] =	wrdreg $0xFFFFFFFF  }
0xc8: {  	_ =	task.clear_ibuf [dreg:s7], $0x2FFFF;
	_ =	strace $0x9FFFFFFF  }
0xc9: {  	(tm) =	ssettm $0x7FFFFFFF  }
tec
execute0_lowered:
.L_overlay_start_1:
0x0: {  	(tag) =	ssettag $0x1  }
0x1: {  	s5 =	rddreg [dreg:$0x0]  }
0x2: {  	s1 =	srdreg.scid;
	s7 =	rddreg [dreg:$0x1]  }
0x3: {  	s0 =	stileid.u32;
	s2 =	rddreg [dreg:$0x2]  }
0x4: {  	s3 =	simm.s32 $0x0;
	s15 =	simm.s32 $0x4F00;
	s16 =	simm.s32 $0x7700  }
0x5: {  	s17 =	simm.s32 $0x1;
	s18 =	simm.s32 $0x3;
	s19 =	simm.s32 $0x2  }
0x6: {  	s20 =	simm.s32 $0x4;
	s21 =	simm.s32 $0x4DA0;
	s22 =	simm.s32 $0x26C0  }
0x7: {  	s23 =	simm.s32 $0x4DF0;
	s24 =	simm.s32 $0x4E40;
	s25 =	simm.s32 $0x0  }
0x8: {  	s6 =	sand.u32 $0x1, s1;
	s28 =	sshll.u32 s0, $0x1;
	s9 =	smul.u32 $0x14000, s0  }
0x9: {  	[smem:$0x7FF] =	sst s3;
	s4 =	sadd.s32 $0xC600, s5;
	s29 =	smul.u32 $0x50000, s0  }
0xa: {  	s31 =	sshll.u32 s0, $0x6;
	s1 =	sor.u32 s6, s28;
	s10 =	smul.u32 $0x140000, s6  }
0xb: {  	s6 =	ssub.s32 $0x2, s6;
	s8 =	smul.u32 $0x4E2, s1;
	s1 =	rddreg [dreg:$0x3]  }
0xc: {  	_ =	strace $0x8000004D;
	s12 =	sshrl.u32 s9, $0x3;
	s30 =	sshrl.u32 s6, $0x1  }
0xd: {  	s9 =	sadd.s32 s9, s10;
	s12 =	sadd.s32 s12, s5;
	s10 =	sshrl.u32 s29, $0x2  }
0xe: {  	s13 =	ssub.s32 s6, s30;
	s6 =	sor.u32 $0x1C05, s31;
	s11 =	sadd.s32 s8, s5  }
0xf: {  	s9 =	sshrl.u32 s9, $0x3;
	s14 =	sadd.s32 s10, s2;
	s7 =	sadd.s32 s7, s8  }
0x10: {  	s10 =	smax.u32 s13, $0x1;
	s13 =	simm.s32 $0x2780;
	s9 =	sadd.s32 s9, s5  }
0x11: {  	s5 =	sadd.s32 $0x34600, s12;
	s8 =	sadd.s32 $0x2800, s11;
	s11 =	sshrl.u32 s14, $0x3  }
0x12: {  	s12 =	simm.s32 $0x5;
	s14 =	simm.s32 $0x50;
	s9 =	sadd.s32 $0x5C600, s9  }
.LBB2_1:
0x13: {  	[spmem:s11], [sflag:s6] =	dma.local [hbm:s5], $0x2800  }
0x14: {  	_ =	swait.ge [sflag:s12], $0x2800  }
0x15: {  	[sflag:s12] =	ssyncset.done $0x0  }
0x16: {  	[sflag:s12] =	ssyncadd.s32 $0xFFFFD800  }
0x17: {  	[tilespmem:s3], [sflag:$0x5] =	stream.linear.gather [hbm4b:s7+s3], $0x2710, $0x38;
	[tilespmem:$0x1DF00] =	vst v63  }
0x18: {  	_ =	swait.ge [sflag:s12], $0x2710  }
0x19: {  	[sflag:s12] =	ssyncset.done $0x0  }
0x1a: {  	[sflag:s12] =	ssyncadd.s32 $0xFFFFD8F0  }
0x1b: {  	[tilespmem:s13], [sflag:$0x5] =	stream.linear.gather [hbm4b:s8+s3], $0x2710, $0x38;
	[tilespmem:$0x1DF00] =	vst v63  }
0x1c: {  	_ =	swait.ge [sflag:s12], $0x2710  }
0x1d: {  	[sflag:s12] =	ssyncset.done $0x0  }
0x1e: {  	[sflag:s12] =	ssyncadd.s32 $0xFFFFD8F0  }
0x1f: {  	[bflag:$0x0] =	sbarrier.arrive $0xFFFF  }
0x20: {  	[tilespmem:s15], [sflag:$0x1] =	stream.indirect.gather [hbm4b:s4+s14], $0x80, s3, s14, $0xb8;
	[tilespmem:$0x1DF00] =	vst v63  }
0x21: {  	_ = 	snop  }
0x22: {  	[tilespmem:s16], [sflag:$0x2] =	stream.indirect.gather [hbm4b:s4+s14], $0x80, s14, s14, $0xb8;
	[tilespmem:$0x1DF00] =	vst v63  }
0x23: {  	_ =	swait.ge [sflag:s17], $0x2800  }
0x24: {  	[sflag:s17] =	ssyncset.done $0x0  }
0x25: {  	s26 =	simm.s32 $0x2780;
	[sflag:s17] =	ssyncadd.s32 $0xFFFFD800  }
0x26: {  	[spmem:s2] =	stream.indirect.scatter.add.f32 [tilespmem:s15], [sflag:$0x3], $0x80, s26, s14, $0xb8;
	[tilespmem:$0x1DF00] =	vst v63  }
0x27: {  	_ =	swait.ge [sflag:s18], $0x2800  }
0x28: {  	[sflag:s18] =	ssyncset.done $0x0  }
0x29: {  	s30 =	simm.s32 $0xA0;
	[sflag:s18] =	ssyncadd.s32 $0xFFFFD800  }
0x2a: {  	[tilespmem:s15], [sflag:$0x1] =	stream.indirect.gather [hbm4b:s4+s14], $0x80, s30, s14, $0xb8;
	[tilespmem:$0x1DF00] =	vst v63  }
0x2b: {  	_ =	swait.ge [sflag:s19], $0x2800  }
0x2c: {  	[sflag:s19] =	ssyncset.done $0x0  }
0x2d: {  	s31 =	simm.s32 $0x27D0;
	[sflag:s19] =	ssyncadd.s32 $0xFFFFD800  }
0x2e: {  	[spmem:s2] =	stream.indirect.scatter.add.f32 [tilespmem:s16], [sflag:$0x4], $0x80, s31, s14, $0xb8;
	[tilespmem:$0x1DF00] =	vst v63  }
0x2f: {  	_ =	swait.ge [sflag:s20], $0x2800  }
0x30: {  	[sflag:s20] =	ssyncset.done $0x0  }
0x31: {  	s28 =	simm.s32 $0xF0;
	s26 =	simm.s32 $0x280;
	[sflag:s20] =	ssyncadd.s32 $0xFFFFD800  }
.LBB2_2:
0x32: {  	[tilespmem:s16], [sflag:$0x2] =	stream.indirect.gather [hbm4b:s4+s14], $0x80, s28, s14, $0xb8;
	[tilespmem:$0x1DF00] =	vst v63  }
0x33: {  	s28 =	smov.u32 s26  }
0x34: {  	p0 =	sne.s32 s26, $0x9600;
	s26 =	sadd.s32 $0x280, s26;
	_ =	swait.ge [sflag:s17], $0x2800  }
0x35: {  	s28 =	sshra.s32 s28, $0x2;
	[sflag:s17] =	ssyncset.done $0x0  }
0x36: {  	s29 =	sadd.s32 $0x2780, s28;
	[sflag:s17] =	ssyncadd.s32 $0xFFFFD800  }
0x37: {  	[spmem:s2] =	stream.indirect.scatter.add.f32 [tilespmem:s15], [sflag:$0x3], $0x80, s29, s14, $0xb8;
	[tilespmem:$0x1DF00] =	vst v63  }
0x38: {  	_ =	swait.ge [sflag:s18], $0x2800  }
0x39: {  	[sflag:s18] =	ssyncset.done $0x0  }
0x3a: {  	s29 =	sadd.s32 $0xA0, s28;
	[sflag:s18] =	ssyncadd.s32 $0xFFFFD800  }
0x3b: {  	[tilespmem:s15], [sflag:$0x1] =	stream.indirect.gather [hbm4b:s4+s14], $0x80, s29, s14, $0xb8;
	[tilespmem:$0x1DF00] =	vst v63  }
0x3c: {  	_ =	swait.ge [sflag:s19], $0x2800  }
0x3d: {  	[sflag:s19] =	ssyncset.done $0x0  }
.Ltmp0:
0x3e: {  	s29 =	sadd.s32 $0x27D0, s28;
	[sflag:s19] =	ssyncadd.s32 $0xFFFFD800;
	(pc) =	sbr.rel @p0 .LBB2_2-.Ltmp0, $4  }
0x3f: {  	[spmem:s2] =	stream.indirect.scatter.add.f32 [tilespmem:s16], [sflag:$0x4], $0x80, s29, s14, $0xb8;
	[tilespmem:$0x1DF00] =	vst v63  }
0x40: {  	_ =	swait.ge [sflag:s20], $0x2800  }
0x41: {  	[sflag:s20] =	ssyncset.done $0x0  }
0x42: {  	s28 =	sadd.s32 $0xF0, s28;
	[sflag:s20] =	ssyncadd.s32 $0xFFFFD800  }
0x43: {  	[tilespmem:s16], [sflag:$0x2] =	stream.indirect.gather [hbm4b:s4+s14], $0x80, s28, s14, $0xb8;
	[tilespmem:$0x1DF00] =	vst v63  }
0x44: {  	_ =	swait.ge [sflag:s17], $0x2800  }
0x45: {  	[sflag:s17] =	ssyncset.done $0x0  }
0x46: {  	[sflag:s17] =	ssyncadd.s32 $0xFFFFD800  }
0x47: {  	[spmem:s2] =	stream.indirect.scatter.add.f32 [tilespmem:s15], [sflag:$0x3], $0x80, s21, s14, $0xb8;
	[tilespmem:$0x1DF00] =	vst v63  }
0x48: {  	_ =	swait.ge [sflag:s18], $0x2800  }
0x49: {  	[sflag:s18] =	ssyncset.done $0x0  }
0x4a: {  	[sflag:s18] =	ssyncadd.s32 $0xFFFFD800  }
0x4b: {  	[tilespmem:s15], [sflag:$0x1] =	stream.indirect.gather [hbm4b:s4+s14], $0x80, s22, s14, $0xb8;
	[tilespmem:$0x1DF00] =	vst v63  }
0x4c: {  	_ =	swait.ge [sflag:s19], $0x2800  }
0x4d: {  	[sflag:s19] =	ssyncset.done $0x0  }
0x4e: {  	[sflag:s19] =	ssyncadd.s32 $0xFFFFD800  }
0x4f: {  	[spmem:s2] =	stream.indirect.scatter.add.f32 [tilespmem:s16], [sflag:$0x4], $0x80, s23, s14, $0xb8;
	[tilespmem:$0x1DF00] =	vst v63  }
0x50: {  	_ =	swait.ge [sflag:s20], $0x2800  }
0x51: {  	[sflag:s20] =	ssyncset.done $0x0  }
0x52: {  	[sflag:s20] =	ssyncadd.s32 $0xFFFFD800  }
0x53: {  	_ =	swait.ge [sflag:s17], $0x2800  }
0x54: {  	[sflag:s17] =	ssyncset.done $0x0  }
0x55: {  	[sflag:s17] =	ssyncadd.s32 $0xFFFFD800  }
0x56: {  	[spmem:s2] =	stream.indirect.scatter.add.f32 [tilespmem:s15], [sflag:$0x3], $0x80, s24, s14, $0xb8;
	[tilespmem:$0x1DF00] =	vst v63  }
0x57: {  	_ =	swait.ge [sflag:s18], $0x2800  }
0x58: {  	s25 =	sadd.s32 $0x1, s25;
	[sflag:s18] =	ssyncset.done $0x0  }
0x59: {  	p0 =	sne.s32 s25, s10;
	[sflag:s18] =	ssyncadd.s32 $0xFFFFD800  }
.Ltmp1:
0x5a: {  	[bflag:$0x0] =	sbarrier.arrive $0xFFFF;
	(pc) =	sbr.rel @p0 .LBB2_1-.Ltmp1, $4  }
0x5b: {  	[hbm:s9], [sflag:s6] =	dma.local [spmem:s11], $0x2800  }
0x5c: {  	_ =	swait.ge [sflag:s12], $0x2800  }
0x5d: {  	[sflag:s12] =	ssyncset.done $0x0  }
0x5e: {  	[sflag:s12] =	ssyncadd.s32 $0xFFFFD800  }
0x5f: {  	_ =	sfence.sel $0x180000  }
0x60: {  	[bflag:$0x0] =	sbarrier.arrive $0xFFFF  }
0x61: {  	p0 =	sne.s32 s0, $0x0;
	_ =	strace $0x9000004D  }
0x62: {  	s0 =	sadd.s32 @!p0 $0x100000, s1;
	[bflag:$0x2] =	sbarrier.arrive $0xFFFF  }
0x63: {  	[sflag:s0] =	ssyncadd.tile.s32 @!p0 $0x1;
	_ =	shalt  }
.Lfunc_end2:
_tile_overlayer_lowered:
.L_overlay_start_2:
0x64: {  	(tag) =	ssettag $0x2  }
0x65: {  	s0 =	rddreg [dreg:$0x0];
	s2 =	stileid.u32  }
0x66: {  	s1 =	rddreg [dreg:$0x1];
	p0 =	sne.s32 s2, $0x0  }
0x67: {  	s3 =	rddreg [dreg:$0x2];
	[bflag:$0x3] =	sbarrier.arrive $0xFFFF;
	s2 =	simm.s32 @!p0 $0x1C05  }
0x68: {  	[timem:s3], [sflag:s2] =	dma.local @!p0 [hbm:s0], s1  }
0x69: {  	s0 =	simm.s32 @!p0 $0x5  }
0x6a: {  	_ =	swait.ge @!p0 [sflag:s0], s1  }
0x6b: {  	s1 =	ssub.s32 @!p0 $0x0, s1;
	[sflag:s0] =	ssyncset.done @!p0 $0x0  }
0x6c: {  	[sflag:s0] =	ssyncadd.s32 @!p0 s1  }
0x6d: {  	[bflag:$0x3] =	sbarrier.arrive $0xFFFF  }
0x6e: {  	_ =	shalt  }

// kernel: kernel.8.cloned.1.call-start
scs
__scs_entry_jumppad:
0x0: {  	(pc) =	sbr.rel $0x88, $3  }
0x1: {  	(tag) =	ssettag $0x0;
	lr =	simm.s32 $0x1  }
0x2: {  	[smem:$0x3F99] =	sst lr;
	_ =	strace $0xD0000000  }
0x3: {  	_ = 	snop  }
0x4: {  	_ = 	snop  }
0x5: {  	_ = 	snop  }
0x6: {  	_ = 	snop  }
0x7: {  	_ = 	snop  }
__scs_overlays_trampoline_lowered:
0x8: {  	[smem:$0x3FA8] =	sst s0  }
0x9: {  	[smem:$0x3FA9] =	sst s1  }
0xa: {  	[smem:$0x3FAA] =	sst s2  }
0xb: {  	[smem:$0x3FAB] =	sst s3  }
0xc: {  	[smem:$0x3FAC] =	sst s4  }
0xd: {  	[smem:$0x3FAD] =	sst s5  }
0xe: {  	[smem:$0x3FAE] =	sst s6  }
0xf: {  	[smem:$0x3FAF] =	sst s7  }
0x10: {  	[smem:$0x3FB0] =	sst s8  }
0x11: {  	[smem:$0x3FB1] =	sst s9;
	s0 =	simm.s32 @!p0 $0x0  }
0x12: {  	s1 =	sld [smem:$0x3F97];
	s0 =	simm.s32 @p0 $0x1  }
0x13: {  	[smem:$0x3FB2] =	sst s0;
	s0 =	simm.s32 @!p1 $0x0  }
0x14: {  	s2 =	sld [smem:$0x3F96];
	s0 =	simm.s32 @p1 $0x1  }
0x15: {  	[smem:$0x3FB3] =	sst s0;
	s0 =	simm.s32 @!p2 $0x0  }
0x16: {  	s3 =	sld [smem:$0x3FDB];
	s0 =	simm.s32 @p2 $0x1  }
0x17: {  	s4 =	simm.s32 $0x1BF5;
	[smem:$0x3FB5] =	sst s0  }
0x18: {  	s0 =	sld [smem:$0x3F98];
	_ =	swait.ge [sflag:s4], $0x0  }
0x19: {  	s7 =	sld [smem:$0x3F99]  }
0x1a: {  	s8 =	sadd.s32 $0xFFFFE003, lr  }
0x1b: {  	s9 =	sadd.s32 $0xFFFFFEF7, lr;
	s5 =	simm.s32 $0xFFFFFFFF;
	p2 =	slt.u32 s8, $0xFFFFF086  }
0x1c: {  	p1 =	slt.u32 s9, $0xF7A;
	s5 =	simm.s32 @!p2 $0x0  }
0x1d: {  	s5 =	simm.s32 @p1 $0x1;
	p0 =	seq.s32 s7, s2  }
0x1e: {  	s7 =	smul.u32 @!p0 $0xF7A, s2;
	p2 =	seq.s32 @!p0 s5, $0x0  }
0x1f: {  	s9 =	smul.u32 $0xF7A, s1;
	s8 =	simm.s32 @!p0 $0x1BF5;
	p2 =	por !p2, p0  }
0x20: {  	[sflag:s8] =	ssyncset.s32 @!p0 $0xFFFFF086;
	s6 =	sadd.s32 @!p0 s3, s7;
	s7 =	simm.s32 @!p0 $0x108  }
0x21: {  	s3 =	sadd.s32 s3, s9;
	s6 =	sadd.s32 @!p0 $0x88, s6;
	s7 =	simm.s32 @p2 $0x1082  }
0x22: {  	[simem:s7], [sflag:s8] =	dma.local @!p0 [hbm:s6], $0xF7A  }
0x23: {  	s9 =	sor.u32 $0xD0000000, s2;
	s6 =	simm.s32 $0x108;
	_ =	swait.ge @!p0 [sflag:s8], $0x0  }
0x24: {  	s3 =	sadd.s32 $0x88, s3;
	s6 =	simm.s32 @!p1 $0x1082;
	[sflag:s4] =	ssyncset.s32 $0xFFFFF086  }
0x25: {  	[simem:s6], [sflag:s4] =	dma.local [hbm:s3], $0xF7A  }
0x26: {  	[smem:$0x3F99] =	sst s1;
	(tag) =	ssettag s2;
	_ =	strace s9  }
0x27: {  	s1 =	sld [smem:$0x3FA9]  }
0x28: {  	s2 =	sld [smem:$0x3FAA]  }
0x29: {  	s4 =	sld [smem:$0x3FAC]  }
0x2a: {  	p0 =	seq.s32 s5, $0x0;
	s5 =	sld [smem:$0x3FAD]  }
0x2b: {  	s6 =	sld [smem:$0x3FAE]  }
0x2c: {  	s7 =	sld [smem:$0x3FAF]  }
0x2d: {  	s3 =	simm.s32 $0x108;
	s8 =	sld [smem:$0x3FB0]  }
0x2e: {  	s3 =	simm.s32 @!p0 $0x1082;
	s9 =	sld [smem:$0x3FB1]  }
0x2f: {  	lr =	sadd.s32 s0, s3;
	s0 =	sld [smem:$0x3FA8]  }
0x30: {  	s3 =	sld [smem:$0x3FAB]  }
0x31: {  	[smem:$0x3FB4] =	sst s10  }
0x32: {  	s10 =	sld [smem:$0x3FB2];
	_ =	sdelay $0x3  }
0x33: {  	p0 =	seq.s32 s10, $0x1;
	s10 =	sld [smem:$0x3FB4];
	_ =	sdelay $0x3  }
0x34: {  	[smem:$0x3FB4] =	sst s10  }
0x35: {  	s10 =	sld [smem:$0x3FB3];
	_ =	sdelay $0x3  }
0x36: {  	p1 =	seq.s32 s10, $0x1;
	s10 =	sld [smem:$0x3FB4];
	_ =	sdelay $0x3  }
0x37: {  	[smem:$0x3FB4] =	sst s10  }
0x38: {  	s10 =	sld [smem:$0x3FB5]  }
0x39: {  	_ = 	snop;
	(pc) =	sbr.ind lr, $3  }
0x3a: {  	_ = 	snop  }
0x3b: {  	_ = 	snop  }
0x3c: {  	p2 =	seq.s32 s10, $0x1;
	s10 =	sld [smem:$0x3FB4]  }
0x3d: {  	_ =	shalt  }
0x3e: {  	_ =	shalt  }
0x3f: {  	_ =	shalt  }
0x40: {  	_ =	shalt  }
0x41: {  	_ =	shalt  }
0x42: {  	_ =	shalt  }
0x43: {  	_ =	shalt  }
0x44: {  	_ =	shalt  }
0x45: {  	_ =	shalt  }
0x46: {  	_ =	shalt  }
0x47: {  	_ =	shalt  }
0x48: {  	_ =	shalt  }
0x49: {  	_ =	shalt  }
0x4a: {  	_ =	shalt  }
0x4b: {  	_ =	shalt  }
0x4c: {  	_ =	shalt  }
0x4d: {  	_ =	shalt  }
0x4e: {  	_ =	shalt  }
0x4f: {  	_ =	shalt  }
0x50: {  	_ =	shalt  }
0x51: {  	_ =	shalt  }
0x52: {  	_ =	shalt  }
0x53: {  	_ =	shalt  }
0x54: {  	_ =	shalt  }
0x55: {  	_ =	shalt  }
0x56: {  	_ =	shalt  }
0x57: {  	_ =	shalt  }
0x58: {  	_ =	shalt  }
0x59: {  	_ =	shalt  }
0x5a: {  	_ =	shalt  }
0x5b: {  	_ =	shalt  }
0x5c: {  	_ =	shalt  }
0x5d: {  	_ =	shalt  }
0x5e: {  	_ =	shalt  }
0x5f: {  	_ =	shalt  }
0x60: {  	_ =	shalt  }
0x61: {  	_ =	shalt  }
0x62: {  	_ =	shalt  }
0x63: {  	_ =	shalt  }
0x64: {  	_ =	shalt  }
0x65: {  	_ =	shalt  }
0x66: {  	_ =	shalt  }
0x67: {  	_ =	shalt  }
0x68: {  	_ =	shalt  }
0x69: {  	_ =	shalt  }
0x6a: {  	_ =	shalt  }
0x6b: {  	_ =	shalt  }
0x6c: {  	_ =	shalt  }
0x6d: {  	_ =	shalt  }
0x6e: {  	_ =	shalt  }
0x6f: {  	_ =	shalt  }
0x70: {  	_ =	shalt  }
0x71: {  	_ =	shalt  }
0x72: {  	_ =	shalt  }
0x73: {  	_ =	shalt  }
0x74: {  	_ =	shalt  }
0x75: {  	_ =	shalt  }
0x76: {  	_ =	shalt  }
0x77: {  	_ =	shalt  }
0x78: {  	_ =	shalt  }
0x79: {  	_ =	shalt  }
0x7a: {  	_ =	shalt  }
0x7b: {  	_ =	shalt  }
0x7c: {  	_ =	shalt  }
0x7d: {  	_ =	shalt  }
0x7e: {  	_ =	shalt  }
0x7f: {  	_ =	shalt  }
0x80: {  	_ =	shalt  }
0x81: {  	_ =	shalt  }
0x82: {  	_ =	shalt  }
0x83: {  	_ =	shalt  }
0x84: {  	_ =	shalt  }
0x85: {  	_ =	shalt  }
0x86: {  	_ =	shalt  }
0x87: {  	_ =	shalt  }
.Lfunc_end0:
.L_simem_size_0:
called_computation_lowered:
.L_overlay_start_0:
0x88: {  	s2 =	sld [smem:$0x3FD9]  }
0x89: {  	s3 =	sld [smem:$0x3FFE];
	_ =	sdelay $0x1  }
0x8a: {  	s1 =	srdreg.scid  }
0x8b: {  	s0 =	sand.u32 $0x1, s1  }
0x8c: {  	s14 =	sshll.u32 s0, $0xA;
	s2 =	sadd.s32 s3, s2  }
0x8d: {  	s2 =	sadd.s32 s2, s14  }
0x8e: {  	[smem:$0x3FC0] =	sst s2  }
0x8f: {  	_ = 	snop  }
0x90: {  	s2 =	sld [smem:$0x3FD0];
	_ =	sdelay $0x2  }
0x91: {  	s15 =	simm.s32 $0xA;
	s4 =	simm.s32 $0x10  }
0x92: {  	[smem:s4], [sflag:s15] =	dma.local [hbm:s2], $0x1  }
0x93: {  	_ =	swait.eq [sflag:s15], $0x1  }
0x94: {  	[sflag:s15] =	ssyncset.done $0x0  }
0x95: {  	[sflag:s15] =	ssyncadd.s32 $0xFFFFFFFF  }
0x96: {  	s16 =	sld [smem:$0x11];
	(tm) =	ssettm $0x1  }
0x97: {  	s17 =	sld [smem:$0x3FFB];
	_ =	sdelay $0x3  }
0x98: {  	_ =	strace s17  }
0x99: {  	s3 =	sld [smem:$0x3FFC];
	_ =	sdelay $0x3  }
0x9a: {  	_ =	strace s3  }
0x9b: {  	s3 =	sld [smem:$0x3FFD];
	_ =	sdelay $0x3  }
0x9c: {  	_ =	strace s3  }
0x9d: {  	_ =	strace $0x8FFFFFFF  }
0x9e: {  	s18 =	sld [smem:$0x3FDB];
	_ =	sdelay $0x1  }
0x9f: {  	s19 =	simm.s32 $_scs_section_size  }
0xa0: {  	s5 =	simm.s32 $_size__tile_overlayer_lowered;
	s6 =	simm.s32 $_tile_overlayer_lowered  }
0xa1: {  	s22 =	simm.s32 $0x1BFF;
	s21 =	sshll.u32 s6, $0x1;
	s3 =	sadd.s32 s19, s18  }
0xa2: {  	s7 =	simm.s32 $0x0;
	s20 =	sshll.u32 s5, $0x1;
	s5 =	sadd.s32 s21, s3  }
0xa3: {  	[timem:s7], [sflag:s22] =	dma.local [hbm:s5], s20  }
0xa4: {  	_ =	swait.ge [sflag:s22], s20  }
0xa5: {  	s4 =	ssub.s32 $0x0, s20;
	[sflag:s22] =	ssyncset.done $0x0  }
0xa6: {  	[sflag:s22] =	ssyncadd.s32 s4;
	_ =	sdelay $0x1  }
0xa7: {  	s23 =	simm.s32 $0x1B8B  }
0xa8: {  	_ =	swait.ge [sflag:s23], $0x1  }
0xa9: {  	[sflag:s23] =	ssyncset.done $0x0  }
0xaa: {  	s25 =	simm.s32 $0x1B8E;
	s24 =	sld [smem:$0x3FFE];
	[sflag:s23] =	ssyncadd.s32 $0xFFFFFFFF  }
0xab: {  	s26 =	simm.s32 $execute0_lowered;
	[smem:$0x3FD2] =	sst s25  }
0xac: {  	s5 =	sshll.u32 s26, $0x1;
	_ =	strace $0x80000046;
	[dreg:$0x1] =	wrdreg $0xFFFFFFFF  }
0xad: {  	s28 =	simm.s32 $_size_execute0_lowered;
	s3 =	sadd.s32 s3, s5;
	[dreg:$0x0] =	wrdreg $0x0  }
0xae: {  	s5 =	sshll.u32 s28, $0x1;
	[dreg:$0x2] =	wrdreg s3  }
0xaf: {  	[dreg:$0x3] =	wrdreg s5  }
0xb0: {  	[dreg:$0x4] =	wrdreg $0xC0  }
0xb1: {  	_ =	task [dreg:s7], $0x5FFFF  }
0xb2: {  	[dreg:$0x1] =	wrdreg $0xFFFFFFFF  }
0xb3: {  	[dreg:$0x0] =	wrdreg $0x60  }
0xb4: {  	[dreg:$0x2] =	wrdreg s24  }
0xb5: {  	[dreg:$0x3] =	wrdreg s16  }
0xb6: {  	[dreg:$0x4] =	wrdreg $0x9  }
0xb7: {  	_ =	task.clear_ibuf [dreg:s7], $0x5FFFF;
	_ =	strace $0x90000046  }
0xb8: {  	s29 =	simm.s32 $0x9;
	_ =	strace $0x80000048  }
0xb9: {  	_ =	swait.ge [sflag:s29], $0x1  }
0xba: {  	[sflag:s29] =	ssyncadd.s32 $0xFFFFFFFF  }
0xbb: {  	_ =	strace $0x90000048  }
0xbc: {  	_ =	sfence  }
0xbd: {  	s30 =	sld [smem:$0x0];
	_ =	sdelay $0x2  }
0xbe: {  	s31 =	sshll.u32 s1, $0xD;
	s1 =	sshrl.u32 s1, $0x2  }
0xbf: {  	s3 =	sand.u32 $0x4000, s31;
	s1 =	sadd.s32 s1, s30  }
0xc0: {  	s0 =	sor.u32 s3, s0;
	s1 =	sshll.u32 s1, $0x11  }
0xc1: {  	s0 =	sor.u32 s1, s0  }
0xc2: {  	s0 =	sadd.s32 $0x8F2B, s0  }
0xc3: {  	[sflag:s0] =	ssyncadd.remote.s32 $0x1  }
0xc4: {  	_ =	sfence.sel $0xFFFF  }
0xc5: {  	[dreg:$0x0] =	wrdreg $0xFFFFFFFF;
	(pc) =	sbr.abs _section_cstart, $3  }
0xc6: {  	[dreg:$0x1] =	wrdreg $0xFFFFFFFF  }
0xc7: {  	_ =	task.clear_ibuf [dreg:s7], $0x2FFFF;
	_ =	strace $0x9FFFFFFF  }
0xc8: {  	(tm) =	ssettm $0x7FFFFFFF  }
0xc9: {  	_ =	shalt  }
tec
execute0_lowered:
.L_overlay_start_1:
0x0: {  	(tag) =	ssettag $0x1  }
0x1: {  	s3 =	rddreg [dreg:$0x0]  }
0x2: {  	s1 =	srdreg.scid;
	s0 =	stileid.u32  }
0x3: {  	s4 =	rddreg [dreg:$0x1];
	s5 =	sand.u32 $0x1, s1;
	s2 =	sshll.u32 s0, $0x1  }
0x4: {  	s1 =	rddreg [dreg:$0x2];
	s6 =	sor.u32 s5, s2  }
0x5: {  	s2 =	simm.s32 $0x0;
	s5 =	ssub.s32 $0x2, s5;
	s7 =	smul.u32 $0x4E2, s6  }
0x6: {  	[smem:$0x7FF] =	sst s2;
	s8 =	sshrl.u32 s5, $0x1;
	s6 =	smul.u32 $0x500, s6  }
0x7: {  	_ =	strace $0x80000047;
	s5 =	ssub.s32 s5, s8;
	s8 =	simm.s32 $0x0  }
0x8: {  	s3 =	sadd.s32 s7, s3;
	s4 =	sadd.s32 s4, s6;
	s5 =	smax.u32 s5, $0x1  }
0x9: {  	v0 =	vimm.f32 $0.0e+00;
	v1 =	vimm.f32 $1.000000000e+00;
	s6 =	simm.s32 $0x1;
	s7 =	simm.s32 $0x2780;
	s3 =	sadd.s32 $0x2800, s3  }
.LBB2_1:
0xa: {  	[tilespmem:s2], [sflag:$0x1] =	stream.linear.gather [hbm4b:s3+s2], $0x2710, $0x38;
	[tilespmem:$0x4F80] =	vst v63  }
0xb: {  	_ =	swait.ge [sflag:s6], $0x2710  }
0xc: {  	[sflag:s6] =	ssyncset.done $0x0  }
0xd: {  	s9 =	simm.s32 $0x0;
	[sflag:s6] =	ssyncadd.s32 $0xFFFFD8F0  }
.LBB2_2:
0xe: {  	p0 =	sne.s32 s9, $0x9FC0  }
.Ltmp0:
0xf: {  	_ = 	snop;
	(pc) =	sbr.rel @p0 .LBB2_2-.Ltmp0, $3  }
0x10: {  	_ =	sdelay $0x1  }
0x11: {  	s10 =	sshra.s32 s9, $0x2  }
0x12: {  	s9 =	sadd.s32 $0x40, s9;
	[tilespmem:s10+$0x2780] =	vst v0  }
0x13: {  	s10 =	simm.s32 $0x0;
	s9 =	simm.s32 $0x40  }
.LBB2_4:
0x14: {  	p0 =	sne.s32 s9, $0x9C00;
	v2 =	vld [tilespmem:s10+$0x0];
	_ =	sdelay $0x3  }
.Ltmp1:
0x15: {  	(pc) =	sbr.rel @p0 .LBB2_4-.Ltmp1, $2  }
0x16: {  	_ =	sdelay $0x2  }
0x17: {  	s10 =	sshra.s32 s9, $0x2;
	s9 =	sadd.s32 $0x40, s9;
	[tilespmem:v2+s7+$0x0] =	vst.idx.add.f32.msk $0xffff, v1  }
0x18: {  	v2 =	vld [tilespmem:s10+$0x0];
	_ =	sdelay $0x5  }
0x19: {  	s8 =	sadd.s32 $0x1, s8  }
0x1a: {  	p0 =	sne.s32 s8, s5  }
.Ltmp2:
0x1b: {  	[tilespmem:v2+s7+$0x0] =	vst.idx.add.f32.msk $0xffff, v1;
	(pc) =	sbr.rel @p0 .LBB2_1-.Ltmp2, $4  }
0x1c: {  	[hbm4b:s4+s2] =	stream.linear.scatter [tilespmem:s7], [sflag:$0x1], $0x2800, $0x38;
	[tilespmem:$0x4F80] =	vst v63  }
0x1d: {  	_ =	swait.ge [sflag:s6], $0x2800  }
0x1e: {  	[sflag:s6] =	ssyncset.done $0x0  }
0x1f: {  	[sflag:s6] =	ssyncadd.s32 $0xFFFFD800  }
0x20: {  	_ =	sfence.sel $0x180000  }
0x21: {  	[bflag:$0x0] =	sbarrier.arrive $0xFFFF  }
0x22: {  	p0 =	sne.s32 s0, $0x0;
	_ =	strace $0x90000047  }
0x23: {  	s0 =	sadd.s32 @!p0 $0x100000, s1;
	[bflag:$0x2] =	sbarrier.arrive $0xFFFF  }
0x24: {  	[sflag:s0] =	ssyncadd.tile.s32 @!p0 $0x1;
	_ =	shalt  }
.Lfunc_end2:
_tile_overlayer_lowered:
.L_overlay_start_2:
0x25: {  	(tag) =	ssettag $0x2  }
0x26: {  	s0 =	rddreg [dreg:$0x0];
	s2 =	stileid.u32  }
0x27: {  	s1 =	rddreg [dreg:$0x1];
	p0 =	sne.s32 s2, $0x0  }
0x28: {  	s3 =	rddreg [dreg:$0x2];
	[bflag:$0x3] =	sbarrier.arrive $0xFFFF;
	s2 =	simm.s32 @!p0 $0x1C01  }
0x29: {  	[timem:s3], [sflag:s2] =	dma.local @!p0 [hbm:s0], s1  }
0x2a: {  	s0 =	simm.s32 @!p0 $0x1  }
0x2b: {  	_ =	swait.ge @!p0 [sflag:s0], s1  }
0x2c: {  	s1 =	ssub.s32 @!p0 $0x0, s1;
	[sflag:s0] =	ssyncset.done @!p0 $0x0  }
0x2d: {  	[sflag:s0] =	ssyncadd.s32 @!p0 s1  }
0x2e: {  	[bflag:$0x3] =	sbarrier.arrive $0xFFFF  }
0x2f: {  	_ =	shalt  }

</sc_bundles>
